<compile_context>
chip_gen: v7x
topology: tpu7x:2x2x1
jax: 0.10.2.dev20260603
libtpu: 0.0.44.dev20260713+nightly
codegen_flags: <defaults>
</compile_context>

<pallas_src>
import jax
import jax.numpy as jnp
from jax import lax
from jax.experimental import pallas as pl
from jax.experimental.pallas import tpu as pltpu
from jax.experimental.pallas import tpu_sc as plsc

N_CELL = 100000
N_TISSUE = 2000
C = 50
D = 128

NW = 32
SPW = 3136
NPAD = NW * SPW
CH = 112
NCH = SPW // CH
TAB = 2056
ZROW = 2048
TCHUNK = 200


def _sc1_body(ca3d, t3d, cell_hbm, ca64f, neg1, ztab,
              agg_hbm, tmap_hbm,
              idx_a, tix_a, rows_a, flat_v, buf_v, shared, gsem):
    c = lax.axis_index("c")
    s = lax.axis_index("s")
    w = c * 16 + s

    soff = pl.multiple_of(s * 128, 8)
    pltpu.sync_copy(ztab.at[pl.ds(soff, 128)], shared.at[pl.ds(soff, 128)])

    @pl.when(s == 15)
    def _():
        pltpu.sync_copy(ztab.at[pl.ds(2048, 8)], shared.at[pl.ds(2048, 8)])

    plsc.subcore_barrier()

    pltpu.sync_copy(ca3d.at[w], idx_a)
    pltpu.sync_copy(t3d.at[w], tix_a)

    cp0 = pltpu.async_copy(cell_hbm.at[idx_a.at[0]], rows_a.at[0], gsem.at[0])
    cp1 = pltpu.async_copy(cell_hbm.at[idx_a.at[1]], rows_a.at[1], gsem.at[1])

    def chunk_a(k, _):
        sl = lax.rem(k, 3)

        @pl.when(k + 2 < NCH)
        def _():
            nsl = lax.rem(k + 2, 3)
            pltpu.async_copy(cell_hbm.at[idx_a.at[k + 2]], rows_a.at[nsl],
                             gsem.at[nsl])

        pltpu.make_async_copy(cell_hbm.at[idx_a.at[k]], rows_a.at[sl],
                              gsem.at[sl]).wait()
        pltpu.sync_copy(rows_a.at[sl], shared.at[tix_a.at[k]], add=True)
        return 0

    lax.fori_loop(0, NCH, chunk_a, 0)
    del cp0, cp1
    plsc.subcore_barrier()

    @pl.when(s < 15)
    def _():
        pltpu.sync_copy(shared.at[pl.ds(soff, 128)],
                        agg_hbm.at[c, pl.ds(soff, 128)])

    @pl.when(s == 15)
    def _():
        pltpu.sync_copy(shared.at[pl.ds(1920, 80)],
                        agg_hbm.at[c, pl.ds(1920, 80)])

    pltpu.sync_copy(neg1, buf_v)
    cbase = w * SPW

    lanes = lax.iota(jnp.int32, 16)

    def tblock(rc, tv0):
        roff = pl.multiple_of(rc * TCHUNK * 64, 16)
        pltpu.sync_copy(ca64f.at[pl.ds(roff, TCHUNK * 64)], flat_v)

        def trow(j, carry):
            tv, ivs = carry
            vs = [plsc.load_gather(flat_v, [ivs[k]]) for k in range(4)]
            ds_ = [v - cbase for v in vs]
            ms = [(d >= 0) & (d < SPW) for d in ds_]
            for k in range(4):
                plsc.store_scatter(buf_v, [ds_[k]], tv, mask=ms[k])
            return tv + 1, tuple(iv + 64 for iv in ivs)

        ivs0 = tuple(lanes + k * 16 for k in range(4))
        tv1, _ = lax.fori_loop(0, TCHUNK, trow, (tv0, ivs0))
        return tv1

    tv0 = jnp.zeros((16,), jnp.int32)
    lax.fori_loop(0, N_TISSUE // TCHUNK, tblock, tv0)
    pltpu.sync_copy(buf_v, tmap_hbm.at[pl.ds(pl.multiple_of(w * SPW, 16), SPW)])


def _sc1(ca3d, t3d, cell_graph, ca64f, neg1, ztab):
    mesh = plsc.VectorSubcoreMesh(core_axis_name="c", subcore_axis_name="s")
    return pl.kernel(
        _sc1_body,
        out_type=[
            jax.ShapeDtypeStruct((2, N_TISSUE, D), jnp.float32),
            jax.ShapeDtypeStruct((NPAD,), jnp.int32),
        ],
        mesh=mesh,
        scratch_types=[
            pltpu.VMEM((NCH, CH), jnp.int32),
            pltpu.VMEM((NCH, CH), jnp.int32),
            pltpu.VMEM((3, CH, D), jnp.float32),
            pltpu.VMEM((TCHUNK * 64,), jnp.int32),
            pltpu.VMEM((SPW,), jnp.int32),
            pltpu.VMEM_SHARED((TAB, D), jnp.float32),
            pltpu.SemaphoreType.DMA((3,)),
        ],
        compiler_params=pltpu.CompilerParams(needs_layout_passes=False, use_tc_tiling_on_sc=False),
    )(ca3d, t3d, cell_graph, ca64f, neg1, ztab)


def _sc2_body(tmap_hbm, table_hbm, tfeat_hbm, idx_v, rows_b, sems):
    c = lax.axis_index("c")
    s = lax.axis_index("s")
    w = c * 16 + s

    pltpu.sync_copy(tmap_hbm.at[pl.ds(pl.multiple_of(w * SPW, 16), SPW)], idx_v)

    tb = w * TAB

    def clampb(h, iv):
        v = plsc.load_gather(idx_v, [iv])
        plsc.store_scatter(idx_v, [iv], jnp.where(v < 0, ZROW, v) + tb)
        return iv + 16

    lax.fori_loop(0, SPW // 16, clampb, lax.iota(jnp.int32, 16))

    cp0 = pltpu.async_copy(table_hbm.at[idx_v.at[pl.ds(0, CH)]], rows_b.at[0],
                           sems.at[0])
    cp1 = pltpu.async_copy(table_hbm.at[idx_v.at[pl.ds(CH, CH)]], rows_b.at[1],
                           sems.at[1])

    def chunk(k, _):
        sl = lax.rem(k, 3)

        @pl.when(k + 2 < NCH)
        def _():
            nsl = lax.rem(k + 2, 3)
            io = pl.multiple_of((k + 2) * CH, 16)
            pltpu.async_copy(table_hbm.at[idx_v.at[pl.ds(io, CH)]],
                             rows_b.at[nsl], sems.at[nsl])

        io2 = pl.multiple_of(k * CH, 16)
        pltpu.make_async_copy(table_hbm.at[idx_v.at[pl.ds(io2, CH)]],
                              rows_b.at[sl], sems.at[sl]).wait()
        base = pl.multiple_of(w * SPW + k * CH, 16)
        pltpu.sync_copy(rows_b.at[sl], tfeat_hbm.at[pl.ds(base, CH)])
        return 0

    lax.fori_loop(0, NCH, chunk, 0)
    del cp0, cp1


def _sc2(tmap, table32):
    mesh = plsc.VectorSubcoreMesh(core_axis_name="c", subcore_axis_name="s")
    return pl.kernel(
        _sc2_body,
        out_type=jax.ShapeDtypeStruct((NPAD, D), jnp.float32),
        mesh=mesh,
        scratch_types=[
            pltpu.VMEM((SPW,), jnp.int32),
            pltpu.VMEM((3, CH, D), jnp.float32),
            pltpu.SemaphoreType.DMA((3,)),
        ],
        compiler_params=pltpu.CompilerParams(needs_layout_passes=False, use_tc_tiling_on_sc=False),
    )(tmap, table32)


def _tc1_body(tg_ref, agg_ref, out_ref):
    tu = tg_ref[...] + agg_ref[0] + agg_ref[1]
    out_ref[pl.ds(0, N_TISSUE), :] = tu
    out_ref[pl.ds(N_TISSUE, TAB - N_TISSUE), :] = jnp.zeros(
        (TAB - N_TISSUE, D), jnp.float32)


def _rep_body(tab_ref, out_ref):
    out_ref[...] = tab_ref[...]


def _tc2_body(cell_ref, tf_ref, wcq_ref, wtp_ref, b_ref, atd_ref, out_ref):
    cell = cell_ref[...]
    tf = tf_ref[...]
    cq = jnp.dot(cell.astype(jnp.bfloat16), wcq_ref[...],
                 preferred_element_type=jnp.float32)
    tk = jnp.dot(tf.astype(jnp.bfloat16), wtp_ref[...],
                 preferred_element_type=jnp.float32)
    h = jnp.tanh(cq + tk + b_ref[...])
    score = jnp.sum(h * atd_ref[...], axis=1, keepdims=True)
    wgt = jax.nn.sigmoid(score)
    out_ref[...] = cell + tf * wgt


def kernel(cell_graph, tissue_graph, cluster_assignments,
           W_cp, b_cp, W_tq, b_tq, a_bu,
           W_tp, b_tp, W_cq, b_cq, a_td):
    ca_flat = cluster_assignments.reshape(-1)
    ca_flat_pad = jnp.concatenate(
        [ca_flat, jnp.zeros((NPAD - N_CELL,), jnp.int32)])
    ca3d = ca_flat_pad.reshape(NW, NCH, CH)
    t_flat = jnp.repeat(jnp.arange(N_TISSUE, dtype=jnp.int32), C)
    t3d = jnp.concatenate(
        [t_flat, jnp.full((NPAD - N_CELL,), ZROW, jnp.int32)]).reshape(
            NW, NCH, CH)
    ca64f = jnp.pad(cluster_assignments, ((0, 0), (0, 64 - C)),
                    constant_values=-1).reshape(-1)
    neg1 = jnp.full((SPW,), -1, jnp.int32)
    ztab = jnp.zeros((TAB, D), jnp.float32)

    agg, tmap = _sc1(ca3d, t3d, cell_graph, ca64f, neg1, ztab)

    table = pl.pallas_call(
        _tc1_body,
        out_shape=jax.ShapeDtypeStruct((TAB, D), jnp.float32),
    )(tissue_graph, agg)

    table32 = pl.pallas_call(
        _rep_body,
        grid=(NW,),
        in_specs=[pl.BlockSpec((TAB, D), lambda i: (0, 0))],
        out_specs=pl.BlockSpec((TAB, D), lambda i: (i, 0)),
        out_shape=jax.ShapeDtypeStruct((NW * TAB, D), jnp.float32),
    )(table)

    tfeat = _sc2(tmap, table32)

    R = 2000
    bsum = (b_cq + b_tp).reshape(1, D)
    cell_updated = pl.pallas_call(
        _tc2_body,
        grid=(N_CELL // R,),
        in_specs=[
            pl.BlockSpec((R, D), lambda i: (i, 0)),
            pl.BlockSpec((R, D), lambda i: (i, 0)),
            pl.BlockSpec((D, D), lambda i: (0, 0)),
            pl.BlockSpec((D, D), lambda i: (0, 0)),
            pl.BlockSpec((1, D), lambda i: (0, 0)),
            pl.BlockSpec((1, D), lambda i: (0, 0)),
        ],
        out_specs=pl.BlockSpec((R, D), lambda i: (i, 0)),
        out_shape=jax.ShapeDtypeStruct((N_CELL, D), jnp.float32),
    )(cell_graph, tfeat, W_cq.T.astype(jnp.bfloat16),
      W_tp.T.astype(jnp.bfloat16), bsum, a_td)

    tissue_updated = table[:N_TISSUE]
    return (cell_updated, tissue_updated)

# --- scband reference (transcript-rebuilt; emitter-appended) ---
"""Pipeline reference for scband-cross-level-attention-20151986553270 (READ-ONLY COPY).

The authoritative reference and input builder live on the scoring server;
editing this copy changes nothing except your own understanding.
"""

import jax, jax.numpy as jnp
import numpy as np

N_CELL = 100000
N_TISSUE = 2000
C = 50
CD = 128
TD = 128
HD = 128


def setup_inputs(seed: int = 0) -> dict:
    key = jax.random.key(seed)
    ks = jax.random.split(key, 9)
    cell_graph = jax.random.normal(ks[0], (N_CELL, CD), dtype=jnp.float32)
    tissue_graph = jax.random.normal(ks[1], (N_TISSUE, TD), dtype=jnp.float32)
    cluster_assignments = jax.random.randint(ks[2], (N_TISSUE, C), 0, N_CELL, dtype=jnp.int32)
    s = 0.05
    W_cp = jax.random.normal(ks[3], (HD, CD), dtype=jnp.float32) * s
    b_cp = jnp.zeros((HD,), jnp.float32)
    W_tq = jax.random.normal(ks[4], (HD, TD), dtype=jnp.float32) * s
    b_tq = jnp.zeros((HD,), jnp.float32)
    a_bu = jax.random.normal(ks[5], (1, HD), dtype=jnp.float32) * s
    W_tp = jax.random.normal(ks[6], (HD, TD), dtype=jnp.float32) * s
    b_tp = jnp.zeros((HD,), jnp.float32)
    W_cq = jax.random.normal(ks[7], (HD, CD), dtype=jnp.float32) * s
    b_cq = jnp.zeros((HD,), jnp.float32)
    a_td = jax.random.normal(ks[8], (1, HD), dtype=jnp.float32) * s
    return {
        'cell_graph': cell_graph,
        'tissue_graph': tissue_graph,
        'cluster_assignments': cluster_assignments,
        'W_cp': W_cp, 'b_cp': b_cp, 'W_tq': W_tq, 'b_tq': b_tq, 'a_bu': a_bu,
        'W_tp': W_tp, 'b_tp': b_tp, 'W_cq': W_cq, 'b_cq': b_cq, 'a_td': a_td,
    }


def reference(cell_graph, tissue_graph, cluster_assignments,
              W_cp, b_cp, W_tq, b_tq, a_bu,
              W_tp, b_tp, W_cq, b_cq, a_td):
    # ---- Bottom-up attention: tissue nodes attend to constituent cells ----
    gathered = cell_graph[cluster_assignments]              # [T, C, CD]
    cell_keys = gathered @ W_cp.T + b_cp                    # [T, C, HD]
    tissue_query = tissue_graph @ W_tq.T + b_tq             # [T, HD]
    scores = jnp.tanh(cell_keys + tissue_query[:, None, :]) @ a_bu.T  # [T, C, 1]
    # original applies nn.Softmax(dim=1) on [C, 1] scores, i.e. over the size-1 axis
    attn = jax.nn.softmax(scores, axis=-1)                  # [T, C, 1] (all ones, faithful)
    aggregated = (gathered * attn).sum(axis=1)              # [T, CD]
    tissue_updated = tissue_graph + aggregated              # dropout is identity in eval

    # ---- Top-down attention: cells attend to their parent tissue ----
    flat_cells = cluster_assignments.reshape(-1)            # [T*C]
    tissue_ids = jnp.repeat(jnp.arange(N_TISSUE, dtype=jnp.int32), C)  # [T*C]
    # dict insertion order in original: last write wins = largest tissue index
    t_of_cell = jnp.full((N_CELL,), -1, dtype=jnp.int32).at[flat_cells].max(tissue_ids)
    assigned = t_of_cell >= 0
    t_safe = jnp.where(assigned, t_of_cell, 0)
    tfeat = tissue_updated[t_safe]                          # [N_cell, TD]
    tissue_key = tfeat @ W_tp.T + b_tp                      # [N_cell, HD]
    cell_query = cell_graph @ W_cq.T + b_cq                 # [N_cell, HD]
    score = jnp.tanh(tissue_key + cell_query) @ a_td.T      # [N_cell, 1]
    weight = jax.nn.sigmoid(score)                          # [N_cell, 1]
    updated = cell_graph + tfeat * weight
    cell_updated = jnp.where(assigned[:, None], updated, cell_graph)
    return (cell_updated, tissue_updated)

if __name__ == "__main__":
    import jax
    _d = setup_inputs()
    print(jax.jit(kernel)(*tuple(_d.values())))

</pallas_src>

<mosaic_0001>
#map = affine_map<(d0, d1) -> (0)>
#map1 = affine_map<(d0, d1) -> (0, 0)>
module attributes {stable_mosaic.version = 14 : i64} {
  func.func @_sc2_body(%arg0: i32, %arg1: i32, %arg2: memref<100352xi32, #tpu.memory_space<hbm>>, %arg3: memref<65792x128xf32, #tpu.memory_space<hbm>>, %arg4: memref<100352x128xf32, #tpu.memory_space<hbm>>, %arg5: memref<3136xi32, #tpu.memory_space<vmem>>, %arg6: memref<3x112x128xf32, #tpu.memory_space<vmem>>, %arg7: memref<3x!tpu.dma_semaphore, #tpu.memory_space<semaphore_mem>>) attributes {dimension_semantics = [#tpu.dimension_semantics<core_parallel>, #tpu.dimension_semantics<subcore_parallel>], iteration_bounds = array<i64: 2, 16>, scalar_prefetch = 0 : i64, scratch_operands = 3 : i64, tpu.core_type = #tpu.core_type<sc_vector_subcore>, window_params = [{transform_indices = #map}, {transform_indices = #map1}, {transform_indices = #map1}]} {
    %mul3A = arith.constant 16 : i32
    %mul3A_0 = arith.muli %arg0, %mul3A : i32
    %add3A = arith.addi %mul3A_0, %arg1 : i32
    %mul3A_1 = arith.constant 3136 : i32
    %mul3A_2 = arith.muli %add3A, %mul3A_1 : i32
    %multiple_of3A = tpu.assume_multiple %mul3A_2, 16 : i32
    "tpu.region"() ({
      %run_scoped3A = tpu.sem_alloc : memref<!tpu.dma_semaphore, #tpu.memory_space<semaphore_mem>>
      %dma_start3A_42 = tpu.memref_slice %arg2[%multiple_of3A] : memref<100352xi32, #tpu.memory_space<hbm>> -> memref<3136xi32, #tpu.memory_space<hbm>>
      %dma_start3A_43 = tpu.memref_slice %arg2[%multiple_of3A] : memref<100352xi32, #tpu.memory_space<hbm>> -> memref<3136xi32, #tpu.memory_space<hbm>>
      tpu.enqueue_dma source(%dma_start3A_43 : memref<3136xi32, #tpu.memory_space<hbm>>) target(%arg5 : memref<3136xi32, #tpu.memory_space<vmem>>) target_semaphore(%run_scoped3A : memref<!tpu.dma_semaphore, #tpu.memory_space<semaphore_mem>>)
      %dma_wait3A = tpu.memref_slice %arg2[%multiple_of3A] : memref<100352xi32, #tpu.memory_space<hbm>> -> memref<3136xi32, #tpu.memory_space<hbm>>
      %dma_wait3A_44 = tpu.memref_slice %arg2[%multiple_of3A] : memref<100352xi32, #tpu.memory_space<hbm>> -> memref<3136xi32, #tpu.memory_space<hbm>>
      tpu.wait_dma2 semaphore(%run_scoped3A : memref<!tpu.dma_semaphore, #tpu.memory_space<semaphore_mem>>) src(%dma_wait3A_44 : memref<3136xi32, #tpu.memory_space<hbm>>) dst(%arg5 : memref<3136xi32, #tpu.memory_space<vmem>>)
      tpu.yield
    }) : () -> ()
    %mul3A_3 = arith.constant 2056 : i32
    %mul3A_4 = arith.muli %add3A, %mul3A_3 : i32
    %iota3A = tpu.iota {dimensions = array<i32: 0>} : vector<16xi32>
    %scan3A = arith.constant 0 : i32
    %scan3A_5 = arith.constant 196 : i32
    %scan3A_6 = arith.addi %scan3A, %scan3A_5 : i32
    %scan3A_7 = arith.constant 1 : i32
    %scan3A_8 = scf.for %scan3A_42 = %scan3A to %scan3A_6 step %scan3A_7 iter_args(%scan3A_43 = %iota3A) -> (vector<16xi32>)  : i32 {
      %gather3A = tpu.vector_load_idx %arg5[%scan3A_43] : memref<3136xi32, #tpu.memory_space<vmem>>[vector<16xi32>], vector<16xi32>,
      %lt3A = arith.constant 0 : i32
      %lt3A_44 = vector.broadcast %lt3A : i32 to vector<16xi32>
      %lt3A_45 = arith.cmpi slt, %gather3A, %lt3A_44 : vector<16xi32>
      %jit3A = arith.constant 2048 : i32
      %broadcast_in_dim3A = vector.broadcast %jit3A : i32 to vector<16xi32>
      %select_n3A = arith.select %lt3A_45, %broadcast_in_dim3A, %gather3A : vector<16xi1>, vector<16xi32>
      %add3A_46 = vector.broadcast %mul3A_4 : i32 to vector<16xi32>
      %add3A_47 = arith.addi %select_n3A, %add3A_46 : vector<16xi32>
      tpu.vector_store_idx %arg5[%scan3A_43], %add3A_47 : memref<3136xi32, #tpu.memory_space<vmem>>[vector<16xi32>], vector<16xi32>,
      %add3A_48 = arith.constant 16 : i32
      %add3A_49 = vector.broadcast %add3A_48 : i32 to vector<16xi32>
      %add3A_50 = arith.addi %scan3A_43, %add3A_49 : vector<16xi32>
      scf.yield %add3A_50 : vector<16xi32>
    }
    %scan3A_9 = arith.constant 196 : i32
    %dma_start3A = arith.constant 0 : i32
    %dma_start3A_10 = arith.constant 0 : i32
    %dma_start3A_11 = arith.constant 0 : i32
    %dma_start3A_12 = arith.constant 0 : i32
    %dma_start3A_13 = tpu.memref_slice %arg6[%dma_start3A, %dma_start3A_11, %dma_start3A_12] : memref<3x112x128xf32, #tpu.memory_space<vmem>> -> memref<1x112x128xf32, #tpu.memory_space<vmem>>
    %dma_start3A_14 = tpu.memref_squeeze %dma_start3A_13 : memref<1x112x128xf32, #tpu.memory_space<vmem>> -> memref<112x128xf32, #tpu.memory_space<vmem>>
    %dma_start3A_15 = arith.constant 0 : i32
    %dma_start3A_16 = tpu.memref_slice %arg5[%dma_start3A_15] : memref<3136xi32, #tpu.memory_space<vmem>> -> memref<112xi32, #tpu.memory_space<vmem>>
    %dma_start3A_17 = arith.constant 0 : i32
    %dma_start3A_18 = arith.constant 0 : i32
    %dma_start3A_19 = tpu.memref_slice %arg3[%dma_start3A_17, %dma_start3A_18] : memref<65792x128xf32, #tpu.memory_space<hbm>> -> memref<65792x128xf32, #tpu.memory_space<hbm>>
    %dma_start3A_20 = tpu.memref_slice %arg7[%dma_start3A_10] : memref<3x!tpu.dma_semaphore, #tpu.memory_space<semaphore_mem>> -> memref<1x!tpu.dma_semaphore, #tpu.memory_space<semaphore_mem>>
    %dma_start3A_21 = tpu.memref_squeeze %dma_start3A_20 : memref<1x!tpu.dma_semaphore, #tpu.memory_space<semaphore_mem>> -> memref<!tpu.dma_semaphore, #tpu.memory_space<semaphore_mem>>
    tpu.enqueue_indirect_dma source(%dma_start3A_19 : memref<65792x128xf32, #tpu.memory_space<hbm>>) target(%dma_start3A_14 : memref<112x128xf32, #tpu.memory_space<vmem>>) offsets(%dma_start3A_16 : memref<112xi32, #tpu.memory_space<vmem>>) semaphore(%dma_start3A_21 : memref<!tpu.dma_semaphore, #tpu.memory_space<semaphore_mem>>)
    %dma_start3A_22 = arith.constant 1 : i32
    %dma_start3A_23 = arith.constant 1 : i32
    %dma_start3A_24 = arith.constant 0 : i32
    %dma_start3A_25 = arith.constant 0 : i32
    %dma_start3A_26 = tpu.memref_slice %arg6[%dma_start3A_22, %dma_start3A_24, %dma_start3A_25] : memref<3x112x128xf32, #tpu.memory_space<vmem>> -> memref<1x112x128xf32, #tpu.memory_space<vmem>>
    %dma_start3A_27 = tpu.memref_squeeze %dma_start3A_26 : memref<1x112x128xf32, #tpu.memory_space<vmem>> -> memref<112x128xf32, #tpu.memory_space<vmem>>
    %dma_start3A_28 = arith.constant 112 : i32
    %dma_start3A_29 = tpu.memref_slice %arg5[%dma_start3A_28] : memref<3136xi32, #tpu.memory_space<vmem>> -> memref<112xi32, #tpu.memory_space<vmem>>
    %dma_start3A_30 = arith.constant 0 : i32
    %dma_start3A_31 = arith.constant 0 : i32
    %dma_start3A_32 = tpu.memref_slice %arg3[%dma_start3A_30, %dma_start3A_31] : memref<65792x128xf32, #tpu.memory_space<hbm>> -> memref<65792x128xf32, #tpu.memory_space<hbm>>
    %dma_start3A_33 = tpu.memref_slice %arg7[%dma_start3A_23] : memref<3x!tpu.dma_semaphore, #tpu.memory_space<semaphore_mem>> -> memref<1x!tpu.dma_semaphore, #tpu.memory_space<semaphore_mem>>
    %dma_start3A_34 = tpu.memref_squeeze %dma_start3A_33 : memref<1x!tpu.dma_semaphore, #tpu.memory_space<semaphore_mem>> -> memref<!tpu.dma_semaphore, #tpu.memory_space<semaphore_mem>>
    tpu.enqueue_indirect_dma source(%dma_start3A_32 : memref<65792x128xf32, #tpu.memory_space<hbm>>) target(%dma_start3A_27 : memref<112x128xf32, #tpu.memory_space<vmem>>) offsets(%dma_start3A_29 : memref<112xi32, #tpu.memory_space<vmem>>) semaphore(%dma_start3A_34 : memref<!tpu.dma_semaphore, #tpu.memory_space<semaphore_mem>>)
    %scan3A_35 = arith.constant 0 : i32
    %scan3A_36 = arith.constant 0 : i32
    %scan3A_37 = arith.constant 28 : i32
    %scan3A_38 = arith.addi %scan3A_36, %scan3A_37 : i32
    %scan3A_39 = arith.constant 1 : i32
    %scan3A_40 = scf.for %scan3A_42 = %scan3A_36 to %scan3A_38 step %scan3A_39 iter_args(%scan3A_43 = %scan3A_35) -> (i32)  : i32 {
      %rem3A = arith.constant 3 : i32
      %rem3A_44 = arith.remsi %scan3A_42, %rem3A : i32
      %add3A_45 = arith.constant 2 : i32
      %add3A_46 = arith.addi %scan3A_42, %add3A_45 : i32
      %lt3A = arith.constant 28 : i32
      %lt3A_47 = arith.cmpi slt, %add3A_46, %lt3A : i32
      %convert_element_type3A = arith.extui %lt3A_47 : i1 to i32
      %cond3A = arith.constant 0 : i32
      %cond3A_48 = arith.cmpi ne, %convert_element_type3A, %cond3A : i32
      scf.if %cond3A_48 {
        %add3A_68 = arith.constant 2 : i32
        %add3A_69 = arith.addi %scan3A_42, %add3A_68 : i32
        %rem3A_70 = arith.constant 3 : i32
        %rem3A_71 = arith.remsi %add3A_69, %rem3A_70 : i32
        %add3A_72 = arith.constant 2 : i32
        %add3A_73 = arith.addi %scan3A_42, %add3A_72 : i32
        %mul3A_74 = arith.constant 112 : i32
        %mul3A_75 = arith.muli %add3A_73, %mul3A_74 : i32
        %multiple_of3A_76 = tpu.assume_multiple %mul3A_75, 16 : i32
        %dma_start3A_77 = arith.constant 0 : i32
        %dma_start3A_78 = arith.constant 0 : i32
        %dma_start3A_79 = tpu.memref_slice %arg6[%rem3A_71, %dma_start3A_77, %dma_start3A_78] : memref<3x112x128xf32, #tpu.memory_space<vmem>> -> memref<1x112x128xf32, #tpu.memory_space<vmem>>
        %dma_start3A_80 = tpu.memref_squeeze %dma_start3A_79 : memref<1x112x128xf32, #tpu.memory_space<vmem>> -> memref<112x128xf32, #tpu.memory_space<vmem>>
        %dma_start3A_81 = tpu.memref_slice %arg5[%multiple_of3A_76] : memref<3136xi32, #tpu.memory_space<vmem>> -> memref<112xi32, #tpu.memory_space<vmem>>
        %dma_start3A_82 = arith.constant 0 : i32
        %dma_start3A_83 = arith.constant 0 : i32
        %dma_start3A_84 = tpu.memref_slice %arg3[%dma_start3A_82, %dma_start3A_83] : memref<65792x128xf32, #tpu.memory_space<hbm>> -> memref<65792x128xf32, #tpu.memory_space<hbm>>
        %dma_start3A_85 = tpu.memref_slice %arg7[%rem3A_71] : memref<3x!tpu.dma_semaphore, #tpu.memory_space<semaphore_mem>> -> memref<1x!tpu.dma_semaphore, #tpu.memory_space<semaphore_mem>>
        %dma_start3A_86 = tpu.memref_squeeze %dma_start3A_85 : memref<1x!tpu.dma_semaphore, #tpu.memory_space<semaphore_mem>> -> memref<!tpu.dma_semaphore, #tpu.memory_space<semaphore_mem>>
        tpu.enqueue_indirect_dma source(%dma_start3A_84 : memref<65792x128xf32, #tpu.memory_space<hbm>>) target(%dma_start3A_80 : memref<112x128xf32, #tpu.memory_space<vmem>>) offsets(%dma_start3A_81 : memref<112xi32, #tpu.memory_space<vmem>>) semaphore(%dma_start3A_86 : memref<!tpu.dma_semaphore, #tpu.memory_space<semaphore_mem>>)
      } else {
      }
      %mul3A_49 = arith.constant 112 : i32
      %mul3A_50 = arith.muli %scan3A_42, %mul3A_49 : i32
      %multiple_of3A_51 = tpu.assume_multiple %mul3A_50, 16 : i32
      %dma_wait3A = arith.constant 0 : i32
      %dma_wait3A_52 = arith.constant 0 : i32
      %dma_wait3A_53 = tpu.memref_slice %arg6[%rem3A_44, %dma_wait3A, %dma_wait3A_52] : memref<3x112x128xf32, #tpu.memory_space<vmem>> -> memref<1x112x128xf32, #tpu.memory_space<vmem>>
      %dma_wait3A_54 = tpu.memref_squeeze %dma_wait3A_53 : memref<1x112x128xf32, #tpu.memory_space<vmem>> -> memref<112x128xf32, #tpu.memory_space<vmem>>
      %dma_wait3A_55 = tpu.memref_slice %arg5[%multiple_of3A_51] : memref<3136xi32, #tpu.memory_space<vmem>> -> memref<112xi32, #tpu.memory_space<vmem>>
      %dma_wait3A_56 = arith.constant 0 : i32
      %dma_wait3A_57 = arith.constant 0 : i32
      %dma_wait3A_58 = tpu.memref_slice %arg3[%dma_wait3A_56, %dma_wait3A_57] : memref<65792x128xf32, #tpu.memory_space<hbm>> -> memref<65792x128xf32, #tpu.memory_space<hbm>>
      %dma_wait3A_59 = tpu.memref_slice %arg7[%rem3A_44] : memref<3x!tpu.dma_semaphore, #tpu.memory_space<semaphore_mem>> -> memref<1x!tpu.dma_semaphore, #tpu.memory_space<semaphore_mem>>
      %dma_wait3A_60 = tpu.memref_squeeze %dma_wait3A_59 : memref<1x!tpu.dma_semaphore, #tpu.memory_space<semaphore_mem>> -> memref<!tpu.dma_semaphore, #tpu.memory_space<semaphore_mem>>
      tpu.wait_indirect_dma semaphore(%dma_wait3A_60 : memref<!tpu.dma_semaphore, #tpu.memory_space<semaphore_mem>>) src(%dma_wait3A_58 : memref<65792x128xf32, #tpu.memory_space<hbm>>) dst(%dma_wait3A_54 : memref<112x128xf32, #tpu.memory_space<vmem>>)
      %mul3A_61 = arith.constant 3136 : i32
      %mul3A_62 = arith.muli %add3A, %mul3A_61 : i32
      %mul3A_63 = arith.constant 112 : i32
      %mul3A_64 = arith.muli %scan3A_42, %mul3A_63 : i32
      %add3A_65 = arith.addi %mul3A_62, %mul3A_64 : i32
      %multiple_of3A_66 = tpu.assume_multiple %add3A_65, 16 : i32
      "tpu.region"() ({
        %run_scoped3A = tpu.sem_alloc : memref<!tpu.dma_semaphore, #tpu.memory_space<semaphore_mem>>
        %dma_start3A_68 = arith.constant 0 : i32
        %dma_start3A_69 = arith.constant 0 : i32
        %dma_start3A_70 = tpu.memref_slice %arg6[%rem3A_44, %dma_start3A_68, %dma_start3A_69] : memref<3x112x128xf32, #tpu.memory_space<vmem>> -> memref<1x112x128xf32, #tpu.memory_space<vmem>>
        %dma_start3A_71 = tpu.memref_squeeze %dma_start3A_70 : memref<1x112x128xf32, #tpu.memory_space<vmem>> -> memref<112x128xf32, #tpu.memory_space<vmem>>
        %dma_start3A_72 = arith.constant 0 : i32
        %dma_start3A_73 = tpu.memref_slice %arg4[%multiple_of3A_66, %dma_start3A_72] : memref<100352x128xf32, #tpu.memory_space<hbm>> -> memref<112x128xf32, #tpu.memory_space<hbm>>
        %dma_start3A_74 = arith.constant 0 : i32
        %dma_start3A_75 = tpu.memref_slice %arg4[%multiple_of3A_66, %dma_start3A_74] : memref<100352x128xf32, #tpu.memory_space<hbm>> -> memref<112x128xf32, #tpu.memory_space<hbm>>
        %dma_start3A_76 = arith.constant 0 : i32
        %dma_start3A_77 = arith.constant 0 : i32
        %dma_start3A_78 = tpu.memref_slice %arg6[%rem3A_44, %dma_start3A_76, %dma_start3A_77] : memref<3x112x128xf32, #tpu.memory_space<vmem>> -> memref<1x112x128xf32, #tpu.memory_space<vmem>>
        %dma_start3A_79 = tpu.memref_squeeze %dma_start3A_78 : memref<1x112x128xf32, #tpu.memory_space<vmem>> -> memref<112x128xf32, #tpu.memory_space<vmem>>
        tpu.enqueue_dma source(%dma_start3A_79 : memref<112x128xf32, #tpu.memory_space<vmem>>) target(%dma_start3A_75 : memref<112x128xf32, #tpu.memory_space<hbm>>) target_semaphore(%run_scoped3A : memref<!tpu.dma_semaphore, #tpu.memory_space<semaphore_mem>>)
        %dma_wait3A_80 = arith.constant 0 : i32
        %dma_wait3A_81 = arith.constant 0 : i32
        %dma_wait3A_82 = tpu.memref_slice %arg6[%rem3A_44, %dma_wait3A_80, %dma_wait3A_81] : memref<3x112x128xf32, #tpu.memory_space<vmem>> -> memref<1x112x128xf32, #tpu.memory_space<vmem>>
        %dma_wait3A_83 = tpu.memref_squeeze %dma_wait3A_82 : memref<1x112x128xf32, #tpu.memory_space<vmem>> -> memref<112x128xf32, #tpu.memory_space<vmem>>
        %dma_wait3A_84 = arith.constant 0 : i32
        %dma_wait3A_85 = tpu.memref_slice %arg4[%multiple_of3A_66, %dma_wait3A_84] : memref<100352x128xf32, #tpu.memory_space<hbm>> -> memref<112x128xf32, #tpu.memory_space<hbm>>
        %dma_wait3A_86 = arith.constant 0 : i32
        %dma_wait3A_87 = tpu.memref_slice %arg4[%multiple_of3A_66, %dma_wait3A_86] : memref<100352x128xf32, #tpu.memory_space<hbm>> -> memref<112x128xf32, #tpu.memory_space<hbm>>
        %dma_wait3A_88 = arith.constant 0 : i32
        %dma_wait3A_89 = arith.constant 0 : i32
        %dma_wait3A_90 = tpu.memref_slice %arg6[%rem3A_44, %dma_wait3A_88, %dma_wait3A_89] : memref<3x112x128xf32, #tpu.memory_space<vmem>> -> memref<1x112x128xf32, #tpu.memory_space<vmem>>
        %dma_wait3A_91 = tpu.memref_squeeze %dma_wait3A_90 : memref<1x112x128xf32, #tpu.memory_space<vmem>> -> memref<112x128xf32, #tpu.memory_space<vmem>>
        tpu.wait_dma2 semaphore(%run_scoped3A : memref<!tpu.dma_semaphore, #tpu.memory_space<semaphore_mem>>) src(%dma_wait3A_91 : memref<112x128xf32, #tpu.memory_space<vmem>>) dst(%dma_wait3A_87 : memref<112x128xf32, #tpu.memory_space<hbm>>)
        tpu.yield
      }) : () -> ()
      %scan3A_67 = arith.constant 0 : i32
      scf.yield %scan3A_67 : i32
    }
    %scan3A_41 = arith.constant 28 : i32
    return
  }
}

#map = affine_map<(d0, d1) -> (0, 0, 0)>
#map1 = affine_map<(d0, d1) -> (0, 0)>
#map2 = affine_map<(d0, d1) -> (0)>
module attributes {stable_mosaic.version = 14 : i64} {
  func.func @_sc1_body(%arg0: i32, %arg1: i32, %arg2: memref<32x28x112xi32, #tpu.memory_space<hbm>>, %arg3: memref<32x28x112xi32, #tpu.memory_space<hbm>>, %arg4: memref<100000x128xf32, #tpu.memory_space<hbm>>, %arg5: memref<128000xi32, #tpu.memory_space<hbm>>, %arg6: memref<3136xi32, #tpu.memory_space<hbm>>, %arg7: memref<2056x128xf32, #tpu.memory_space<hbm>>, %arg8: memref<2x2000x128xf32, #tpu.memory_space<hbm>>, %arg9: memref<100352xi32, #tpu.memory_space<hbm>>, %arg10: memref<28x112xi32, #tpu.memory_space<vmem>>, %arg11: memref<28x112xi32, #tpu.memory_space<vmem>>, %arg12: memref<3x112x128xf32, #tpu.memory_space<vmem>>, %arg13: memref<12800xi32, #tpu.memory_space<vmem>>, %arg14: memref<3136xi32, #tpu.memory_space<vmem>>, %arg15: memref<2056x128xf32, #tpu.memory_space<vmem_shared>>, %arg16: memref<3x!tpu.dma_semaphore, #tpu.memory_space<semaphore_mem>>) attributes {dimension_semantics = [#tpu.dimension_semantics<core_parallel>, #tpu.dimension_semantics<subcore_parallel>], iteration_bounds = array<i64: 2, 16>, scalar_prefetch = 0 : i64, scratch_operands = 7 : i64, tpu.core_type = #tpu.core_type<sc_vector_subcore>, window_params = [{transform_indices = #map}, {transform_indices = #map}, {transform_indices = #map1}, {transform_indices = #map2}, {transform_indices = #map2}, {transform_indices = #map1}, {transform_indices = #map}, {transform_indices = #map2}]} {
    %mul3A = arith.constant 16 : i32
    %mul3A_0 = arith.muli %arg0, %mul3A : i32
    %add3A = arith.addi %mul3A_0, %arg1 : i32
    %mul3A_1 = arith.constant 128 : i32
    %mul3A_2 = arith.muli %arg1, %mul3A_1 : i32
    %multiple_of3A = tpu.assume_multiple %mul3A_2, 8 : i32
    "tpu.region"() ({
      %run_scoped3A = tpu.sem_alloc : memref<!tpu.dma_semaphore, #tpu.memory_space<semaphore_mem>>
      %dma_start3A_62 = arith.constant 0 : i32
      %dma_start3A_63 = tpu.memref_slice %arg15[%multiple_of3A, %dma_start3A_62] : memref<2056x128xf32, #tpu.memory_space<vmem_shared>> -> memref<128x128xf32, #tpu.memory_space<vmem_shared>>
      %dma_start3A_64 = arith.constant 0 : i32
      %dma_start3A_65 = tpu.memref_slice %arg7[%multiple_of3A, %dma_start3A_64] : memref<2056x128xf32, #tpu.memory_space<hbm>> -> memref<128x128xf32, #tpu.memory_space<hbm>>
      tpu.enqueue_dma source(%dma_start3A_65 : memref<128x128xf32, #tpu.memory_space<hbm>>) target(%dma_start3A_63 : memref<128x128xf32, #tpu.memory_space<vmem_shared>>) target_semaphore(%run_scoped3A : memref<!tpu.dma_semaphore, #tpu.memory_space<semaphore_mem>>)
      %dma_wait3A = arith.constant 0 : i32
      %dma_wait3A_66 = tpu.memref_slice %arg15[%multiple_of3A, %dma_wait3A] : memref<2056x128xf32, #tpu.memory_space<vmem_shared>> -> memref<128x128xf32, #tpu.memory_space<vmem_shared>>
      %dma_wait3A_67 = arith.constant 0 : i32
      %dma_wait3A_68 = tpu.memref_slice %arg7[%multiple_of3A, %dma_wait3A_67] : memref<2056x128xf32, #tpu.memory_space<hbm>> -> memref<128x128xf32, #tpu.memory_space<hbm>>
      tpu.wait_dma2 semaphore(%run_scoped3A : memref<!tpu.dma_semaphore, #tpu.memory_space<semaphore_mem>>) src(%dma_wait3A_68 : memref<128x128xf32, #tpu.memory_space<hbm>>) dst(%dma_wait3A_66 : memref<128x128xf32, #tpu.memory_space<vmem_shared>>)
      tpu.yield
    }) : () -> ()
    %eq3A = arith.constant 15 : i32
    %eq3A_3 = arith.cmpi eq, %arg1, %eq3A : i32
    %convert_element_type3A = arith.extui %eq3A_3 : i1 to i32
    %cond3A = arith.constant 0 : i32
    %cond3A_4 = arith.cmpi ne, %convert_element_type3A, %cond3A : i32
    scf.if %cond3A_4 {
      "tpu.region"() ({
        %run_scoped3A = tpu.sem_alloc : memref<!tpu.dma_semaphore, #tpu.memory_space<semaphore_mem>>
        %dma_start3A_62 = arith.constant 2048 : i32
        %dma_start3A_63 = arith.constant 0 : i32
        %dma_start3A_64 = tpu.memref_slice %arg15[%dma_start3A_62, %dma_start3A_63] : memref<2056x128xf32, #tpu.memory_space<vmem_shared>> -> memref<8x128xf32, #tpu.memory_space<vmem_shared>>
        %dma_start3A_65 = arith.constant 2048 : i32
        %dma_start3A_66 = arith.constant 0 : i32
        %dma_start3A_67 = tpu.memref_slice %arg7[%dma_start3A_65, %dma_start3A_66] : memref<2056x128xf32, #tpu.memory_space<hbm>> -> memref<8x128xf32, #tpu.memory_space<hbm>>
        tpu.enqueue_dma source(%dma_start3A_67 : memref<8x128xf32, #tpu.memory_space<hbm>>) target(%dma_start3A_64 : memref<8x128xf32, #tpu.memory_space<vmem_shared>>) target_semaphore(%run_scoped3A : memref<!tpu.dma_semaphore, #tpu.memory_space<semaphore_mem>>)
        %dma_wait3A = arith.constant 2048 : i32
        %dma_wait3A_68 = arith.constant 0 : i32
        %dma_wait3A_69 = tpu.memref_slice %arg15[%dma_wait3A, %dma_wait3A_68] : memref<2056x128xf32, #tpu.memory_space<vmem_shared>> -> memref<8x128xf32, #tpu.memory_space<vmem_shared>>
        %dma_wait3A_70 = arith.constant 2048 : i32
        %dma_wait3A_71 = arith.constant 0 : i32
        %dma_wait3A_72 = tpu.memref_slice %arg7[%dma_wait3A_70, %dma_wait3A_71] : memref<2056x128xf32, #tpu.memory_space<hbm>> -> memref<8x128xf32, #tpu.memory_space<hbm>>
        tpu.wait_dma2 semaphore(%run_scoped3A : memref<!tpu.dma_semaphore, #tpu.memory_space<semaphore_mem>>) src(%dma_wait3A_72 : memref<8x128xf32, #tpu.memory_space<hbm>>) dst(%dma_wait3A_69 : memref<8x128xf32, #tpu.memory_space<vmem_shared>>)
        tpu.yield
      }) : () -> ()
    } else {
    }
    %barrier3A = arith.constant 0 : index
    tpu.barrier barrier_id(%barrier3A)
    "tpu.region"() ({
      %run_scoped3A = tpu.sem_alloc : memref<!tpu.dma_semaphore, #tpu.memory_space<semaphore_mem>>
      %dma_start3A_62 = arith.constant 0 : i32
      %dma_start3A_63 = arith.constant 0 : i32
      %dma_start3A_64 = tpu.memref_slice %arg2[%add3A, %dma_start3A_62, %dma_start3A_63] : memref<32x28x112xi32, #tpu.memory_space<hbm>> -> memref<1x28x112xi32, #tpu.memory_space<hbm>>
      %dma_start3A_65 = tpu.memref_squeeze %dma_start3A_64 : memref<1x28x112xi32, #tpu.memory_space<hbm>> -> memref<28x112xi32, #tpu.memory_space<hbm>>
      %dma_start3A_66 = arith.constant 0 : i32
      %dma_start3A_67 = arith.constant 0 : i32
      %dma_start3A_68 = tpu.memref_slice %arg2[%add3A, %dma_start3A_66, %dma_start3A_67] : memref<32x28x112xi32, #tpu.memory_space<hbm>> -> memref<1x28x112xi32, #tpu.memory_space<hbm>>
      %dma_start3A_69 = tpu.memref_squeeze %dma_start3A_68 : memref<1x28x112xi32, #tpu.memory_space<hbm>> -> memref<28x112xi32, #tpu.memory_space<hbm>>
      tpu.enqueue_dma source(%dma_start3A_69 : memref<28x112xi32, #tpu.memory_space<hbm>>) target(%arg10 : memref<28x112xi32, #tpu.memory_space<vmem>>) target_semaphore(%run_scoped3A : memref<!tpu.dma_semaphore, #tpu.memory_space<semaphore_mem>>)
      %dma_wait3A = arith.constant 0 : i32
      %dma_wait3A_70 = arith.constant 0 : i32
      %dma_wait3A_71 = tpu.memref_slice %arg2[%add3A, %dma_wait3A, %dma_wait3A_70] : memref<32x28x112xi32, #tpu.memory_space<hbm>> -> memref<1x28x112xi32, #tpu.memory_space<hbm>>
      %dma_wait3A_72 = tpu.memref_squeeze %dma_wait3A_71 : memref<1x28x112xi32, #tpu.memory_space<hbm>> -> memref<28x112xi32, #tpu.memory_space<hbm>>
      %dma_wait3A_73 = arith.constant 0 : i32
      %dma_wait3A_74 = arith.constant 0 : i32
      %dma_wait3A_75 = tpu.memref_slice %arg2[%add3A, %dma_wait3A_73, %dma_wait3A_74] : memref<32x28x112xi32, #tpu.memory_space<hbm>> -> memref<1x28x112xi32, #tpu.memory_space<hbm>>
      %dma_wait3A_76 = tpu.memref_squeeze %dma_wait3A_75 : memref<1x28x112xi32, #tpu.memory_space<hbm>> -> memref<28x112xi32, #tpu.memory_space<hbm>>
      tpu.wait_dma2 semaphore(%run_scoped3A : memref<!tpu.dma_semaphore, #tpu.memory_space<semaphore_mem>>) src(%dma_wait3A_76 : memref<28x112xi32, #tpu.memory_space<hbm>>) dst(%arg10 : memref<28x112xi32, #tpu.memory_space<vmem>>)
      tpu.yield
    }) : () -> ()
    "tpu.region"() ({
      %run_scoped3A = tpu.sem_alloc : memref<!tpu.dma_semaphore, #tpu.memory_space<semaphore_mem>>
      %dma_start3A_62 = arith.constant 0 : i32
      %dma_start3A_63 = arith.constant 0 : i32
      %dma_start3A_64 = tpu.memref_slice %arg3[%add3A, %dma_start3A_62, %dma_start3A_63] : memref<32x28x112xi32, #tpu.memory_space<hbm>> -> memref<1x28x112xi32, #tpu.memory_space<hbm>>
      %dma_start3A_65 = tpu.memref_squeeze %dma_start3A_64 : memref<1x28x112xi32, #tpu.memory_space<hbm>> -> memref<28x112xi32, #tpu.memory_space<hbm>>
      %dma_start3A_66 = arith.constant 0 : i32
      %dma_start3A_67 = arith.constant 0 : i32
      %dma_start3A_68 = tpu.memref_slice %arg3[%add3A, %dma_start3A_66, %dma_start3A_67] : memref<32x28x112xi32, #tpu.memory_space<hbm>> -> memref<1x28x112xi32, #tpu.memory_space<hbm>>
      %dma_start3A_69 = tpu.memref_squeeze %dma_start3A_68 : memref<1x28x112xi32, #tpu.memory_space<hbm>> -> memref<28x112xi32, #tpu.memory_space<hbm>>
      tpu.enqueue_dma source(%dma_start3A_69 : memref<28x112xi32, #tpu.memory_space<hbm>>) target(%arg11 : memref<28x112xi32, #tpu.memory_space<vmem>>) target_semaphore(%run_scoped3A : memref<!tpu.dma_semaphore, #tpu.memory_space<semaphore_mem>>)
      %dma_wait3A = arith.constant 0 : i32
      %dma_wait3A_70 = arith.constant 0 : i32
      %dma_wait3A_71 = tpu.memref_slice %arg3[%add3A, %dma_wait3A, %dma_wait3A_70] : memref<32x28x112xi32, #tpu.memory_space<hbm>> -> memref<1x28x112xi32, #tpu.memory_space<hbm>>
      %dma_wait3A_72 = tpu.memref_squeeze %dma_wait3A_71 : memref<1x28x112xi32, #tpu.memory_space<hbm>> -> memref<28x112xi32, #tpu.memory_space<hbm>>
      %dma_wait3A_73 = arith.constant 0 : i32
      %dma_wait3A_74 = arith.constant 0 : i32
      %dma_wait3A_75 = tpu.memref_slice %arg3[%add3A, %dma_wait3A_73, %dma_wait3A_74] : memref<32x28x112xi32, #tpu.memory_space<hbm>> -> memref<1x28x112xi32, #tpu.memory_space<hbm>>
      %dma_wait3A_76 = tpu.memref_squeeze %dma_wait3A_75 : memref<1x28x112xi32, #tpu.memory_space<hbm>> -> memref<28x112xi32, #tpu.memory_space<hbm>>
      tpu.wait_dma2 semaphore(%run_scoped3A : memref<!tpu.dma_semaphore, #tpu.memory_space<semaphore_mem>>) src(%dma_wait3A_76 : memref<28x112xi32, #tpu.memory_space<hbm>>) dst(%arg11 : memref<28x112xi32, #tpu.memory_space<vmem>>)
      tpu.yield
    }) : () -> ()
    %dma_start3A = arith.constant 0 : i32
    %dma_start3A_5 = arith.constant 0 : i32
    %dma_start3A_6 = arith.constant 0 : i32
    %dma_start3A_7 = arith.constant 0 : i32
    %dma_start3A_8 = arith.constant 0 : i32
    %dma_start3A_9 = tpu.memref_slice %arg12[%dma_start3A_5, %dma_start3A_7, %dma_start3A_8] : memref<3x112x128xf32, #tpu.memory_space<vmem>> -> memref<1x112x128xf32, #tpu.memory_space<vmem>>
    %dma_start3A_10 = tpu.memref_squeeze %dma_start3A_9 : memref<1x112x128xf32, #tpu.memory_space<vmem>> -> memref<112x128xf32, #tpu.memory_space<vmem>>
    %dma_start3A_11 = arith.constant 0 : i32
    %dma_start3A_12 = tpu.memref_slice %arg10[%dma_start3A, %dma_start3A_11] : memref<28x112xi32, #tpu.memory_space<vmem>> -> memref<1x112xi32, #tpu.memory_space<vmem>>
    %dma_start3A_13 = tpu.memref_squeeze %dma_start3A_12 : memref<1x112xi32, #tpu.memory_space<vmem>> -> memref<112xi32, #tpu.memory_space<vmem>>
    %dma_start3A_14 = arith.constant 0 : i32
    %dma_start3A_15 = arith.constant 0 : i32
    %dma_start3A_16 = tpu.memref_slice %arg4[%dma_start3A_14, %dma_start3A_15] : memref<100000x128xf32, #tpu.memory_space<hbm>> -> memref<100000x128xf32, #tpu.memory_space<hbm>>
    %dma_start3A_17 = tpu.memref_slice %arg16[%dma_start3A_6] : memref<3x!tpu.dma_semaphore, #tpu.memory_space<semaphore_mem>> -> memref<1x!tpu.dma_semaphore, #tpu.memory_space<semaphore_mem>>
    %dma_start3A_18 = tpu.memref_squeeze %dma_start3A_17 : memref<1x!tpu.dma_semaphore, #tpu.memory_space<semaphore_mem>> -> memref<!tpu.dma_semaphore, #tpu.memory_space<semaphore_mem>>
    tpu.enqueue_indirect_dma source(%dma_start3A_16 : memref<100000x128xf32, #tpu.memory_space<hbm>>) target(%dma_start3A_10 : memref<112x128xf32, #tpu.memory_space<vmem>>) offsets(%dma_start3A_13 : memref<112xi32, #tpu.memory_space<vmem>>) semaphore(%dma_start3A_18 : memref<!tpu.dma_semaphore, #tpu.memory_space<semaphore_mem>>)
    %dma_start3A_19 = arith.constant 1 : i32
    %dma_start3A_20 = arith.constant 1 : i32
    %dma_start3A_21 = arith.constant 1 : i32
    %dma_start3A_22 = arith.constant 0 : i32
    %dma_start3A_23 = arith.constant 0 : i32
    %dma_start3A_24 = tpu.memref_slice %arg12[%dma_start3A_20, %dma_start3A_22, %dma_start3A_23] : memref<3x112x128xf32, #tpu.memory_space<vmem>> -> memref<1x112x128xf32, #tpu.memory_space<vmem>>
    %dma_start3A_25 = tpu.memref_squeeze %dma_start3A_24 : memref<1x112x128xf32, #tpu.memory_space<vmem>> -> memref<112x128xf32, #tpu.memory_space<vmem>>
    %dma_start3A_26 = arith.constant 0 : i32
    %dma_start3A_27 = tpu.memref_slice %arg10[%dma_start3A_19, %dma_start3A_26] : memref<28x112xi32, #tpu.memory_space<vmem>> -> memref<1x112xi32, #tpu.memory_space<vmem>>
    %dma_start3A_28 = tpu.memref_squeeze %dma_start3A_27 : memref<1x112xi32, #tpu.memory_space<vmem>> -> memref<112xi32, #tpu.memory_space<vmem>>
    %dma_start3A_29 = arith.constant 0 : i32
    %dma_start3A_30 = arith.constant 0 : i32
    %dma_start3A_31 = tpu.memref_slice %arg4[%dma_start3A_29, %dma_start3A_30] : memref<100000x128xf32, #tpu.memory_space<hbm>> -> memref<100000x128xf32, #tpu.memory_space<hbm>>
    %dma_start3A_32 = tpu.memref_slice %arg16[%dma_start3A_21] : memref<3x!tpu.dma_semaphore, #tpu.memory_space<semaphore_mem>> -> memref<1x!tpu.dma_semaphore, #tpu.memory_space<semaphore_mem>>
    %dma_start3A_33 = tpu.memref_squeeze %dma_start3A_32 : memref<1x!tpu.dma_semaphore, #tpu.memory_space<semaphore_mem>> -> memref<!tpu.dma_semaphore, #tpu.memory_space<semaphore_mem>>
    tpu.enqueue_indirect_dma source(%dma_start3A_31 : memref<100000x128xf32, #tpu.memory_space<hbm>>) target(%dma_start3A_25 : memref<112x128xf32, #tpu.memory_space<vmem>>) offsets(%dma_start3A_28 : memref<112xi32, #tpu.memory_space<vmem>>) semaphore(%dma_start3A_33 : memref<!tpu.dma_semaphore, #tpu.memory_space<semaphore_mem>>)
    %scan3A = arith.constant 0 : i32
    %scan3A_34 = arith.constant 0 : i32
    %scan3A_35 = arith.constant 28 : i32
    %scan3A_36 = arith.addi %scan3A_34, %scan3A_35 : i32
    %scan3A_37 = arith.constant 1 : i32
    %scan3A_38 = scf.for %scan3A_62 = %scan3A_34 to %scan3A_36 step %scan3A_37 iter_args(%scan3A_63 = %scan3A) -> (i32)  : i32 {
      %rem3A = arith.constant 3 : i32
      %rem3A_64 = arith.remsi %scan3A_62, %rem3A : i32
      %add3A_65 = arith.constant 2 : i32
      %add3A_66 = arith.addi %scan3A_62, %add3A_65 : i32
      %lt3A_67 = arith.constant 28 : i32
      %lt3A_68 = arith.cmpi slt, %add3A_66, %lt3A_67 : i32
      %convert_element_type3A_69 = arith.extui %lt3A_68 : i1 to i32
      %cond3A_70 = arith.constant 0 : i32
      %cond3A_71 = arith.cmpi ne, %convert_element_type3A_69, %cond3A_70 : i32
      scf.if %cond3A_71 {
        %add3A_84 = arith.constant 2 : i32
        %add3A_85 = arith.addi %scan3A_62, %add3A_84 : i32
        %rem3A_86 = arith.constant 3 : i32
        %rem3A_87 = arith.remsi %add3A_85, %rem3A_86 : i32
        %add3A_88 = arith.constant 2 : i32
        %add3A_89 = arith.addi %scan3A_62, %add3A_88 : i32
        %dma_start3A_90 = arith.constant 0 : i32
        %dma_start3A_91 = arith.constant 0 : i32
        %dma_start3A_92 = tpu.memref_slice %arg12[%rem3A_87, %dma_start3A_90, %dma_start3A_91] : memref<3x112x128xf32, #tpu.memory_space<vmem>> -> memref<1x112x128xf32, #tpu.memory_space<vmem>>
        %dma_start3A_93 = tpu.memref_squeeze %dma_start3A_92 : memref<1x112x128xf32, #tpu.memory_space<vmem>> -> memref<112x128xf32, #tpu.memory_space<vmem>>
        %dma_start3A_94 = arith.constant 0 : i32
        %dma_start3A_95 = tpu.memref_slice %arg10[%add3A_89, %dma_start3A_94] : memref<28x112xi32, #tpu.memory_space<vmem>> -> memref<1x112xi32, #tpu.memory_space<vmem>>
        %dma_start3A_96 = tpu.memref_squeeze %dma_start3A_95 : memref<1x112xi32, #tpu.memory_space<vmem>> -> memref<112xi32, #tpu.memory_space<vmem>>
        %dma_start3A_97 = arith.constant 0 : i32
        %dma_start3A_98 = arith.constant 0 : i32
        %dma_start3A_99 = tpu.memref_slice %arg4[%dma_start3A_97, %dma_start3A_98] : memref<100000x128xf32, #tpu.memory_space<hbm>> -> memref<100000x128xf32, #tpu.memory_space<hbm>>
        %dma_start3A_100 = tpu.memref_slice %arg16[%rem3A_87] : memref<3x!tpu.dma_semaphore, #tpu.memory_space<semaphore_mem>> -> memref<1x!tpu.dma_semaphore, #tpu.memory_space<semaphore_mem>>
        %dma_start3A_101 = tpu.memref_squeeze %dma_start3A_100 : memref<1x!tpu.dma_semaphore, #tpu.memory_space<semaphore_mem>> -> memref<!tpu.dma_semaphore, #tpu.memory_space<semaphore_mem>>
        tpu.enqueue_indirect_dma source(%dma_start3A_99 : memref<100000x128xf32, #tpu.memory_space<hbm>>) target(%dma_start3A_93 : memref<112x128xf32, #tpu.memory_space<vmem>>) offsets(%dma_start3A_96 : memref<112xi32, #tpu.memory_space<vmem>>) semaphore(%dma_start3A_101 : memref<!tpu.dma_semaphore, #tpu.memory_space<semaphore_mem>>)
      } else {
      }
      %dma_wait3A = arith.constant 0 : i32
      %dma_wait3A_72 = arith.constant 0 : i32
      %dma_wait3A_73 = tpu.memref_slice %arg12[%rem3A_64, %dma_wait3A, %dma_wait3A_72] : memref<3x112x128xf32, #tpu.memory_space<vmem>> -> memref<1x112x128xf32, #tpu.memory_space<vmem>>
      %dma_wait3A_74 = tpu.memref_squeeze %dma_wait3A_73 : memref<1x112x128xf32, #tpu.memory_space<vmem>> -> memref<112x128xf32, #tpu.memory_space<vmem>>
      %dma_wait3A_75 = arith.constant 0 : i32
      %dma_wait3A_76 = tpu.memref_slice %arg10[%scan3A_62, %dma_wait3A_75] : memref<28x112xi32, #tpu.memory_space<vmem>> -> memref<1x112xi32, #tpu.memory_space<vmem>>
      %dma_wait3A_77 = tpu.memref_squeeze %dma_wait3A_76 : memref<1x112xi32, #tpu.memory_space<vmem>> -> memref<112xi32, #tpu.memory_space<vmem>>
      %dma_wait3A_78 = arith.constant 0 : i32
      %dma_wait3A_79 = arith.constant 0 : i32
      %dma_wait3A_80 = tpu.memref_slice %arg4[%dma_wait3A_78, %dma_wait3A_79] : memref<100000x128xf32, #tpu.memory_space<hbm>> -> memref<100000x128xf32, #tpu.memory_space<hbm>>
      %dma_wait3A_81 = tpu.memref_slice %arg16[%rem3A_64] : memref<3x!tpu.dma_semaphore, #tpu.memory_space<semaphore_mem>> -> memref<1x!tpu.dma_semaphore, #tpu.memory_space<semaphore_mem>>
      %dma_wait3A_82 = tpu.memref_squeeze %dma_wait3A_81 : memref<1x!tpu.dma_semaphore, #tpu.memory_space<semaphore_mem>> -> memref<!tpu.dma_semaphore, #tpu.memory_space<semaphore_mem>>
      tpu.wait_indirect_dma semaphore(%dma_wait3A_82 : memref<!tpu.dma_semaphore, #tpu.memory_space<semaphore_mem>>) src(%dma_wait3A_80 : memref<100000x128xf32, #tpu.memory_space<hbm>>) dst(%dma_wait3A_74 : memref<112x128xf32, #tpu.memory_space<vmem>>)
      "tpu.region"() ({
        %run_scoped3A = tpu.sem_alloc : memref<!tpu.dma_semaphore, #tpu.memory_space<semaphore_mem>>
        %dma_start3A_84 = arith.constant 0 : i32
        %dma_start3A_85 = arith.constant 0 : i32
        %dma_start3A_86 = tpu.memref_slice %arg12[%rem3A_64, %dma_start3A_84, %dma_start3A_85] : memref<3x112x128xf32, #tpu.memory_space<vmem>> -> memref<1x112x128xf32, #tpu.memory_space<vmem>>
        %dma_start3A_87 = tpu.memref_squeeze %dma_start3A_86 : memref<1x112x128xf32, #tpu.memory_space<vmem>> -> memref<112x128xf32, #tpu.memory_space<vmem>>
        %dma_start3A_88 = arith.constant 0 : i32
        %dma_start3A_89 = tpu.memref_slice %arg11[%scan3A_62, %dma_start3A_88] : memref<28x112xi32, #tpu.memory_space<vmem>> -> memref<1x112xi32, #tpu.memory_space<vmem>>
        %dma_start3A_90 = tpu.memref_squeeze %dma_start3A_89 : memref<1x112xi32, #tpu.memory_space<vmem>> -> memref<112xi32, #tpu.memory_space<vmem>>
        %dma_start3A_91 = arith.constant 0 : i32
        %dma_start3A_92 = arith.constant 0 : i32
        %dma_start3A_93 = tpu.memref_slice %arg15[%dma_start3A_91, %dma_start3A_92] : memref<2056x128xf32, #tpu.memory_space<vmem_shared>> -> memref<2056x128xf32, #tpu.memory_space<vmem_shared>>
        tpu.enqueue_indirect_dma source(%dma_start3A_87 : memref<112x128xf32, #tpu.memory_space<vmem>>) target(%dma_start3A_93 : memref<2056x128xf32, #tpu.memory_space<vmem_shared>>) offsets(%dma_start3A_90 : memref<112xi32, #tpu.memory_space<vmem>>) semaphore(%run_scoped3A : memref<!tpu.dma_semaphore, #tpu.memory_space<semaphore_mem>>) {add = true}
        %dma_wait3A_94 = arith.constant 0 : i32
        %dma_wait3A_95 = arith.constant 0 : i32
        %dma_wait3A_96 = tpu.memref_slice %arg12[%rem3A_64, %dma_wait3A_94, %dma_wait3A_95] : memref<3x112x128xf32, #tpu.memory_space<vmem>> -> memref<1x112x128xf32, #tpu.memory_space<vmem>>
        %dma_wait3A_97 = tpu.memref_squeeze %dma_wait3A_96 : memref<1x112x128xf32, #tpu.memory_space<vmem>> -> memref<112x128xf32, #tpu.memory_space<vmem>>
        %dma_wait3A_98 = arith.constant 0 : i32
        %dma_wait3A_99 = tpu.memref_slice %arg11[%scan3A_62, %dma_wait3A_98] : memref<28x112xi32, #tpu.memory_space<vmem>> -> memref<1x112xi32, #tpu.memory_space<vmem>>
        %dma_wait3A_100 = tpu.memref_squeeze %dma_wait3A_99 : memref<1x112xi32, #tpu.memory_space<vmem>> -> memref<112xi32, #tpu.memory_space<vmem>>
        %dma_wait3A_101 = arith.constant 0 : i32
        %dma_wait3A_102 = arith.constant 0 : i32
        %dma_wait3A_103 = tpu.memref_slice %arg15[%dma_wait3A_101, %dma_wait3A_102] : memref<2056x128xf32, #tpu.memory_space<vmem_shared>> -> memref<2056x128xf32, #tpu.memory_space<vmem_shared>>
        tpu.wait_indirect_dma semaphore(%run_scoped3A : memref<!tpu.dma_semaphore, #tpu.memory_space<semaphore_mem>>) src(%dma_wait3A_97 : memref<112x128xf32, #tpu.memory_space<vmem>>) dst(%dma_wait3A_103 : memref<2056x128xf32, #tpu.memory_space<vmem_shared>>)
        tpu.yield
      }) : () -> ()
      %scan3A_83 = arith.constant 0 : i32
      scf.yield %scan3A_83 : i32
    }
    %scan3A_39 = arith.constant 28 : i32
    %barrier3A_40 = arith.constant 0 : index
    tpu.barrier barrier_id(%barrier3A_40)
    %lt3A = arith.constant 15 : i32
    %lt3A_41 = arith.cmpi slt, %arg1, %lt3A : i32
    %convert_element_type3A_42 = arith.extui %lt3A_41 : i1 to i32
    %cond3A_43 = arith.constant 0 : i32
    %cond3A_44 = arith.cmpi ne, %convert_element_type3A_42, %cond3A_43 : i32
    scf.if %cond3A_44 {
      "tpu.region"() ({
        %run_scoped3A = tpu.sem_alloc : memref<!tpu.dma_semaphore, #tpu.memory_space<semaphore_mem>>
        %dma_start3A_62 = arith.constant 0 : i32
        %dma_start3A_63 = tpu.memref_slice %arg8[%arg0, %multiple_of3A, %dma_start3A_62] : memref<2x2000x128xf32, #tpu.memory_space<hbm>> -> memref<1x128x128xf32, #tpu.memory_space<hbm>>
        %dma_start3A_64 = tpu.memref_squeeze %dma_start3A_63 : memref<1x128x128xf32, #tpu.memory_space<hbm>> -> memref<128x128xf32, #tpu.memory_space<hbm>>
        %dma_start3A_65 = arith.constant 0 : i32
        %dma_start3A_66 = tpu.memref_slice %arg15[%multiple_of3A, %dma_start3A_65] : memref<2056x128xf32, #tpu.memory_space<vmem_shared>> -> memref<128x128xf32, #tpu.memory_space<vmem_shared>>
        tpu.enqueue_dma source(%dma_start3A_66 : memref<128x128xf32, #tpu.memory_space<vmem_shared>>) target(%dma_start3A_64 : memref<128x128xf32, #tpu.memory_space<hbm>>) target_semaphore(%run_scoped3A : memref<!tpu.dma_semaphore, #tpu.memory_space<semaphore_mem>>)
        %dma_wait3A = arith.constant 0 : i32
        %dma_wait3A_67 = tpu.memref_slice %arg8[%arg0, %multiple_of3A, %dma_wait3A] : memref<2x2000x128xf32, #tpu.memory_space<hbm>> -> memref<1x128x128xf32, #tpu.memory_space<hbm>>
        %dma_wait3A_68 = tpu.memref_squeeze %dma_wait3A_67 : memref<1x128x128xf32, #tpu.memory_space<hbm>> -> memref<128x128xf32, #tpu.memory_space<hbm>>
        %dma_wait3A_69 = arith.constant 0 : i32
        %dma_wait3A_70 = tpu.memref_slice %arg15[%multiple_of3A, %dma_wait3A_69] : memref<2056x128xf32, #tpu.memory_space<vmem_shared>> -> memref<128x128xf32, #tpu.memory_space<vmem_shared>>
        tpu.wait_dma2 semaphore(%run_scoped3A : memref<!tpu.dma_semaphore, #tpu.memory_space<semaphore_mem>>) src(%dma_wait3A_70 : memref<128x128xf32, #tpu.memory_space<vmem_shared>>) dst(%dma_wait3A_68 : memref<128x128xf32, #tpu.memory_space<hbm>>)
        tpu.yield
      }) : () -> ()
    } else {
    }
    %eq3A_45 = arith.constant 15 : i32
    %eq3A_46 = arith.cmpi eq, %arg1, %eq3A_45 : i32
    %convert_element_type3A_47 = arith.extui %eq3A_46 : i1 to i32
    %cond3A_48 = arith.constant 0 : i32
    %cond3A_49 = arith.cmpi ne, %convert_element_type3A_47, %cond3A_48 : i32
    scf.if %cond3A_49 {
      "tpu.region"() ({
        %run_scoped3A = tpu.sem_alloc : memref<!tpu.dma_semaphore, #tpu.memory_space<semaphore_mem>>
        %dma_start3A_62 = arith.constant 1920 : i32
        %dma_start3A_63 = arith.constant 0 : i32
        %dma_start3A_64 = tpu.memref_slice %arg8[%arg0, %dma_start3A_62, %dma_start3A_63] : memref<2x2000x128xf32, #tpu.memory_space<hbm>> -> memref<1x80x128xf32, #tpu.memory_space<hbm>>
        %dma_start3A_65 = tpu.memref_squeeze %dma_start3A_64 : memref<1x80x128xf32, #tpu.memory_space<hbm>> -> memref<80x128xf32, #tpu.memory_space<hbm>>
        %dma_start3A_66 = arith.constant 1920 : i32
        %dma_start3A_67 = arith.constant 0 : i32
        %dma_start3A_68 = tpu.memref_slice %arg15[%dma_start3A_66, %dma_start3A_67] : memref<2056x128xf32, #tpu.memory_space<vmem_shared>> -> memref<80x128xf32, #tpu.memory_space<vmem_shared>>
        tpu.enqueue_dma source(%dma_start3A_68 : memref<80x128xf32, #tpu.memory_space<vmem_shared>>) target(%dma_start3A_65 : memref<80x128xf32, #tpu.memory_space<hbm>>) target_semaphore(%run_scoped3A : memref<!tpu.dma_semaphore, #tpu.memory_space<semaphore_mem>>)
        %dma_wait3A = arith.constant 1920 : i32
        %dma_wait3A_69 = arith.constant 0 : i32
        %dma_wait3A_70 = tpu.memref_slice %arg8[%arg0, %dma_wait3A, %dma_wait3A_69] : memref<2x2000x128xf32, #tpu.memory_space<hbm>> -> memref<1x80x128xf32, #tpu.memory_space<hbm>>
        %dma_wait3A_71 = tpu.memref_squeeze %dma_wait3A_70 : memref<1x80x128xf32, #tpu.memory_space<hbm>> -> memref<80x128xf32, #tpu.memory_space<hbm>>
        %dma_wait3A_72 = arith.constant 1920 : i32
        %dma_wait3A_73 = arith.constant 0 : i32
        %dma_wait3A_74 = tpu.memref_slice %arg15[%dma_wait3A_72, %dma_wait3A_73] : memref<2056x128xf32, #tpu.memory_space<vmem_shared>> -> memref<80x128xf32, #tpu.memory_space<vmem_shared>>
        tpu.wait_dma2 semaphore(%run_scoped3A : memref<!tpu.dma_semaphore, #tpu.memory_space<semaphore_mem>>) src(%dma_wait3A_74 : memref<80x128xf32, #tpu.memory_space<vmem_shared>>) dst(%dma_wait3A_71 : memref<80x128xf32, #tpu.memory_space<hbm>>)
        tpu.yield
      }) : () -> ()
    } else {
    }
    "tpu.region"() ({
      %run_scoped3A = tpu.sem_alloc : memref<!tpu.dma_semaphore, #tpu.memory_space<semaphore_mem>>
      tpu.enqueue_dma source(%arg6 : memref<3136xi32, #tpu.memory_space<hbm>>) target(%arg14 : memref<3136xi32, #tpu.memory_space<vmem>>) target_semaphore(%run_scoped3A : memref<!tpu.dma_semaphore, #tpu.memory_space<semaphore_mem>>)
      tpu.wait_dma2 semaphore(%run_scoped3A : memref<!tpu.dma_semaphore, #tpu.memory_space<semaphore_mem>>) src(%arg6 : memref<3136xi32, #tpu.memory_space<hbm>>) dst(%arg14 : memref<3136xi32, #tpu.memory_space<vmem>>)
      tpu.yield
    }) : () -> ()
    %mul3A_50 = arith.constant 3136 : i32
    %mul3A_51 = arith.muli %add3A, %mul3A_50 : i32
    %iota3A = tpu.iota {dimensions = array<i32: 0>} : vector<16xi32>
    %broadcast_in_dim3A = arith.constant 0 : i32
    %broadcast_in_dim3A_52 = vector.broadcast %broadcast_in_dim3A : i32 to vector<16xi32>
    %scan3A_53 = arith.constant 0 : i32
    %scan3A_54 = arith.constant 10 : i32
    %scan3A_55 = arith.addi %scan3A_53, %scan3A_54 : i32
    %scan3A_56 = arith.constant 1 : i32
    %scan3A_57 = scf.for %scan3A_62 = %scan3A_53 to %scan3A_55 step %scan3A_56 iter_args(%scan3A_63 = %broadcast_in_dim3A_52) -> (vector<16xi32>)  : i32 {
      %mul3A_64 = arith.constant 200 : i32
      %mul3A_65 = arith.muli %scan3A_62, %mul3A_64 : i32
      %mul3A_66 = arith.constant 64 : i32
      %mul3A_67 = arith.muli %mul3A_65, %mul3A_66 : i32
      %multiple_of3A_68 = tpu.assume_multiple %mul3A_67, 16 : i32
      "tpu.region"() ({
        %run_scoped3A = tpu.sem_alloc : memref<!tpu.dma_semaphore, #tpu.memory_space<semaphore_mem>>
        %dma_start3A_87 = tpu.memref_slice %arg5[%multiple_of3A_68] : memref<128000xi32, #tpu.memory_space<hbm>> -> memref<12800xi32, #tpu.memory_space<hbm>>
        %dma_start3A_88 = tpu.memref_slice %arg5[%multiple_of3A_68] : memref<128000xi32, #tpu.memory_space<hbm>> -> memref<12800xi32, #tpu.memory_space<hbm>>
        tpu.enqueue_dma source(%dma_start3A_88 : memref<12800xi32, #tpu.memory_space<hbm>>) target(%arg13 : memref<12800xi32, #tpu.memory_space<vmem>>) target_semaphore(%run_scoped3A : memref<!tpu.dma_semaphore, #tpu.memory_space<semaphore_mem>>)
        %dma_wait3A = tpu.memref_slice %arg5[%multiple_of3A_68] : memref<128000xi32, #tpu.memory_space<hbm>> -> memref<12800xi32, #tpu.memory_space<hbm>>
        %dma_wait3A_89 = tpu.memref_slice %arg5[%multiple_of3A_68] : memref<128000xi32, #tpu.memory_space<hbm>> -> memref<12800xi32, #tpu.memory_space<hbm>>
        tpu.wait_dma2 semaphore(%run_scoped3A : memref<!tpu.dma_semaphore, #tpu.memory_space<semaphore_mem>>) src(%dma_wait3A_89 : memref<12800xi32, #tpu.memory_space<hbm>>) dst(%arg13 : memref<12800xi32, #tpu.memory_space<vmem>>)
        tpu.yield
      }) : () -> ()
      %add3A_69 = arith.constant 0 : i32
      %add3A_70 = vector.broadcast %add3A_69 : i32 to vector<16xi32>
      %add3A_71 = arith.addi %iota3A, %add3A_70 : vector<16xi32>
      %add3A_72 = arith.constant 16 : i32
      %add3A_73 = vector.broadcast %add3A_72 : i32 to vector<16xi32>
      %add3A_74 = arith.addi %iota3A, %add3A_73 : vector<16xi32>
      %add3A_75 = arith.constant 32 : i32
      %add3A_76 = vector.broadcast %add3A_75 : i32 to vector<16xi32>
      %add3A_77 = arith.addi %iota3A, %add3A_76 : vector<16xi32>
      %add3A_78 = arith.constant 48 : i32
      %add3A_79 = vector.broadcast %add3A_78 : i32 to vector<16xi32>
      %add3A_80 = arith.addi %iota3A, %add3A_79 : vector<16xi32>
      %scan3A_81 = arith.constant 0 : i32
      %scan3A_82 = arith.constant 200 : i32
      %scan3A_83 = arith.addi %scan3A_81, %scan3A_82 : i32
      %scan3A_84 = arith.constant 1 : i32
      %scan3A_85:5 = scf.for %scan3A_87 = %scan3A_81 to %scan3A_83 step %scan3A_84 iter_args(%scan3A_88 = %scan3A_63, %scan3A_89 = %add3A_71, %scan3A_90 = %add3A_74, %scan3A_91 = %add3A_77, %scan3A_92 = %add3A_80) -> (vector<16xi32>, vector<16xi32>, vector<16xi32>, vector<16xi32>, vector<16xi32>)  : i32 {
        %gather3A = tpu.vector_load_idx %arg13[%scan3A_89] : memref<12800xi32, #tpu.memory_space<vmem>>[vector<16xi32>], vector<16xi32>,
        %gather3A_93 = tpu.vector_load_idx %arg13[%scan3A_90] : memref<12800xi32, #tpu.memory_space<vmem>>[vector<16xi32>], vector<16xi32>,
        %gather3A_94 = tpu.vector_load_idx %arg13[%scan3A_91] : memref<12800xi32, #tpu.memory_space<vmem>>[vector<16xi32>], vector<16xi32>,
        %gather3A_95 = tpu.vector_load_idx %arg13[%scan3A_92] : memref<12800xi32, #tpu.memory_space<vmem>>[vector<16xi32>], vector<16xi32>,
        %sub3A = vector.broadcast %mul3A_51 : i32 to vector<16xi32>
        %sub3A_96 = arith.subi %gather3A, %sub3A : vector<16xi32>
        %sub3A_97 = vector.broadcast %mul3A_51 : i32 to vector<16xi32>
        %sub3A_98 = arith.subi %gather3A_93, %sub3A_97 : vector<16xi32>
        %sub3A_99 = vector.broadcast %mul3A_51 : i32 to vector<16xi32>
        %sub3A_100 = arith.subi %gather3A_94, %sub3A_99 : vector<16xi32>
        %sub3A_101 = vector.broadcast %mul3A_51 : i32 to vector<16xi32>
        %sub3A_102 = arith.subi %gather3A_95, %sub3A_101 : vector<16xi32>
        %ge3A = arith.constant 0 : i32
        %ge3A_103 = vector.broadcast %ge3A : i32 to vector<16xi32>
        %ge3A_104 = arith.cmpi sge, %sub3A_96, %ge3A_103 : vector<16xi32>
        %lt3A_105 = arith.constant 3136 : i32
        %lt3A_106 = vector.broadcast %lt3A_105 : i32 to vector<16xi32>
        %lt3A_107 = arith.cmpi slt, %sub3A_96, %lt3A_106 : vector<16xi32>
        %and3A = arith.andi %ge3A_104, %lt3A_107 : vector<16xi1>
        %ge3A_108 = arith.constant 0 : i32
        %ge3A_109 = vector.broadcast %ge3A_108 : i32 to vector<16xi32>
        %ge3A_110 = arith.cmpi sge, %sub3A_98, %ge3A_109 : vector<16xi32>
        %lt3A_111 = arith.constant 3136 : i32
        %lt3A_112 = vector.broadcast %lt3A_111 : i32 to vector<16xi32>
        %lt3A_113 = arith.cmpi slt, %sub3A_98, %lt3A_112 : vector<16xi32>
        %and3A_114 = arith.andi %ge3A_110, %lt3A_113 : vector<16xi1>
        %ge3A_115 = arith.constant 0 : i32
        %ge3A_116 = vector.broadcast %ge3A_115 : i32 to vector<16xi32>
        %ge3A_117 = arith.cmpi sge, %sub3A_100, %ge3A_116 : vector<16xi32>
        %lt3A_118 = arith.constant 3136 : i32
        %lt3A_119 = vector.broadcast %lt3A_118 : i32 to vector<16xi32>
        %lt3A_120 = arith.cmpi slt, %sub3A_100, %lt3A_119 : vector<16xi32>
        %and3A_121 = arith.andi %ge3A_117, %lt3A_120 : vector<16xi1>
        %ge3A_122 = arith.constant 0 : i32
        %ge3A_123 = vector.broadcast %ge3A_122 : i32 to vector<16xi32>
        %ge3A_124 = arith.cmpi sge, %sub3A_102, %ge3A_123 : vector<16xi32>
        %lt3A_125 = arith.constant 3136 : i32
        %lt3A_126 = vector.broadcast %lt3A_125 : i32 to vector<16xi32>
        %lt3A_127 = arith.cmpi slt, %sub3A_102, %lt3A_126 : vector<16xi32>
        %and3A_128 = arith.andi %ge3A_124, %lt3A_127 : vector<16xi1>
        tpu.vector_store_idx %arg14[%sub3A_96], %scan3A_88 masked %and3A : memref<3136xi32, #tpu.memory_space<vmem>>[vector<16xi32>], vector<16xi32>, vector<16xi1>
        tpu.vector_store_idx %arg14[%sub3A_98], %scan3A_88 masked %and3A_114 : memref<3136xi32, #tpu.memory_space<vmem>>[vector<16xi32>], vector<16xi32>, vector<16xi1>
        tpu.vector_store_idx %arg14[%sub3A_100], %scan3A_88 masked %and3A_121 : memref<3136xi32, #tpu.memory_space<vmem>>[vector<16xi32>], vector<16xi32>, vector<16xi1>
        tpu.vector_store_idx %arg14[%sub3A_102], %scan3A_88 masked %and3A_128 : memref<3136xi32, #tpu.memory_space<vmem>>[vector<16xi32>], vector<16xi32>, vector<16xi1>
        %add3A_129 = arith.constant 1 : i32
        %add3A_130 = vector.broadcast %add3A_129 : i32 to vector<16xi32>
        %add3A_131 = arith.addi %scan3A_88, %add3A_130 : vector<16xi32>
        %add3A_132 = arith.constant 64 : i32
        %add3A_133 = vector.broadcast %add3A_132 : i32 to vector<16xi32>
        %add3A_134 = arith.addi %scan3A_89, %add3A_133 : vector<16xi32>
        %add3A_135 = arith.constant 64 : i32
        %add3A_136 = vector.broadcast %add3A_135 : i32 to vector<16xi32>
        %add3A_137 = arith.addi %scan3A_90, %add3A_136 : vector<16xi32>
        %add3A_138 = arith.constant 64 : i32
        %add3A_139 = vector.broadcast %add3A_138 : i32 to vector<16xi32>
        %add3A_140 = arith.addi %scan3A_91, %add3A_139 : vector<16xi32>
        %add3A_141 = arith.constant 64 : i32
        %add3A_142 = vector.broadcast %add3A_141 : i32 to vector<16xi32>
        %add3A_143 = arith.addi %scan3A_92, %add3A_142 : vector<16xi32>
        scf.yield %add3A_131, %add3A_134, %add3A_137, %add3A_140, %add3A_143 : vector<16xi32>, vector<16xi32>, vector<16xi32>, vector<16xi32>, vector<16xi32>
      }
      %scan3A_86 = arith.constant 200 : i32
      scf.yield %scan3A_85#0 : vector<16xi32>
    }
    %scan3A_58 = arith.constant 10 : i32
    %mul3A_59 = arith.constant 3136 : i32
    %mul3A_60 = arith.muli %add3A, %mul3A_59 : i32
    %multiple_of3A_61 = tpu.assume_multiple %mul3A_60, 16 : i32
    "tpu.region"() ({
      %run_scoped3A = tpu.sem_alloc : memref<!tpu.dma_semaphore, #tpu.memory_space<semaphore_mem>>
      %dma_start3A_62 = tpu.memref_slice %arg9[%multiple_of3A_61] : memref<100352xi32, #tpu.memory_space<hbm>> -> memref<3136xi32, #tpu.memory_space<hbm>>
      %dma_start3A_63 = tpu.memref_slice %arg9[%multiple_of3A_61] : memref<100352xi32, #tpu.memory_space<hbm>> -> memref<3136xi32, #tpu.memory_space<hbm>>
      tpu.enqueue_dma source(%arg14 : memref<3136xi32, #tpu.memory_space<vmem>>) target(%dma_start3A_63 : memref<3136xi32, #tpu.memory_space<hbm>>) target_semaphore(%run_scoped3A : memref<!tpu.dma_semaphore, #tpu.memory_space<semaphore_mem>>)
      %dma_wait3A = tpu.memref_slice %arg9[%multiple_of3A_61] : memref<100352xi32, #tpu.memory_space<hbm>> -> memref<3136xi32, #tpu.memory_space<hbm>>
      %dma_wait3A_64 = tpu.memref_slice %arg9[%multiple_of3A_61] : memref<100352xi32, #tpu.memory_space<hbm>> -> memref<3136xi32, #tpu.memory_space<hbm>>
      tpu.wait_dma2 semaphore(%run_scoped3A : memref<!tpu.dma_semaphore, #tpu.memory_space<semaphore_mem>>) src(%arg14 : memref<3136xi32, #tpu.memory_space<vmem>>) dst(%dma_wait3A_64 : memref<3136xi32, #tpu.memory_space<hbm>>)
      tpu.yield
    }) : () -> ()
    return
  }
}

module attributes {stable_mosaic.version = 14 : i64} {
  func.func @_rep_body(%arg0: i32, %arg1: memref<2056x128xf32, #tpu.memory_space<vmem>>, %arg2: memref<2056x128xf32, #tpu.memory_space<vmem>>) attributes {dimension_semantics = [#tpu.dimension_semantics<arbitrary>], iteration_bounds = array<i64: 32>, scalar_prefetch = 0 : i64, scratch_operands = 0 : i64, tpu.core_type = #tpu.core_type<tc>, window_params = [{pipeline_mode = #tpu.pipeline_mode<synchronous>, transform_indices = @transform_0, window_bounds = array<i64: 2056, 128>}, {transform_indices = @transform_1, window_bounds = array<i64: 2056, 128>}]} {
    %get3A = arith.constant 0 : index
    %get3A_0 = arith.constant 0 : index
    %get3A_1 = vector.load %arg1[%get3A, %get3A_0] : memref<2056x128xf32, #tpu.memory_space<vmem>>, vector<2056x128xf32>
    %swap3A = arith.constant 0 : index
    %swap3A_2 = arith.constant 0 : index
    %swap3A_3 = vector.load %arg2[%swap3A, %swap3A_2] : memref<2056x128xf32, #tpu.memory_space<vmem>>, vector<2056x128xf32>
    tpu.vector_store %arg2[%swap3A, %swap3A_2], %get3A_1 {strides = array<i32>} : memref<2056x128xf32, #tpu.memory_space<vmem>>, vector<2056x128xf32>,
    return
  }
  func.func @transform_0(%arg0: i32) -> (i32, i32) {
    %c0_i32 = arith.constant 0 : i32
    %c0_i32_0 = arith.constant 0 : i32
    %c0_i32_1 = arith.constant 0 : i32
    return %c0_i32, %c0_i32_0 : i32, i32
  }
  func.func @transform_1(%arg0: i32) -> (i32, i32) {
    %c0_i32 = arith.constant 0 : i32
    %c0_i32_0 = arith.constant 0 : i32
    return %arg0, %c0_i32 : i32, i32
  }
}

module attributes {stable_mosaic.version = 14 : i64} {
  func.func @_tc1_body(%arg0: memref<2000x128xf32, #tpu.memory_space<vmem>>, %arg1: memref<2x2000x128xf32, #tpu.memory_space<vmem>>, %arg2: memref<2056x128xf32, #tpu.memory_space<vmem>>) attributes {dimension_semantics = [], scalar_prefetch = 0 : i64, scratch_operands = 0 : i64, tpu.core_type = #tpu.core_type<tc>} {
    %get3A = arith.constant 0 : index
    %get3A_0 = arith.constant 0 : index
    %get3A_1 = vector.load %arg0[%get3A, %get3A_0] : memref<2000x128xf32, #tpu.memory_space<vmem>>, vector<2000x128xf32>
    %get3A_2 = arith.constant 0 : index
    %get3A_3 = arith.constant 0 : index
    %get3A_4 = arith.constant 0 : index
    %get3A_5 = vector.load %arg1[%get3A_2, %get3A_3, %get3A_4] : memref<2x2000x128xf32, #tpu.memory_space<vmem>>, vector<1x2000x128xf32>
    %get3A_6 = vector.shape_cast %get3A_5 : vector<1x2000x128xf32> to vector<2000x128xf32>
    %add3A = arith.addf %get3A_1, %get3A_6 : vector<2000x128xf32>
    %get3A_7 = arith.constant 1 : index
    %get3A_8 = arith.constant 0 : index
    %get3A_9 = arith.constant 0 : index
    %get3A_10 = vector.load %arg1[%get3A_7, %get3A_8, %get3A_9] : memref<2x2000x128xf32, #tpu.memory_space<vmem>>, vector<1x2000x128xf32>
    %get3A_11 = vector.shape_cast %get3A_10 : vector<1x2000x128xf32> to vector<2000x128xf32>
    %add3A_12 = arith.addf %add3A, %get3A_11 : vector<2000x128xf32>
    %swap3A = arith.constant 0 : index
    %swap3A_13 = arith.constant 0 : index
    %swap3A_14 = vector.load %arg2[%swap3A, %swap3A_13] : memref<2056x128xf32, #tpu.memory_space<vmem>>, vector<2000x128xf32>
    tpu.vector_store %arg2[%swap3A, %swap3A_13], %add3A_12 {strides = array<i32>} : memref<2056x128xf32, #tpu.memory_space<vmem>>, vector<2000x128xf32>,
    %broadcast_in_dim3A = arith.constant 0.000000e+00 : f32
    %broadcast_in_dim3A_15 = vector.broadcast %broadcast_in_dim3A : f32 to vector<56x128xf32>
    %swap3A_16 = arith.constant 2000 : index
    %swap3A_17 = arith.constant 0 : index
    %swap3A_18 = vector.load %arg2[%swap3A_16, %swap3A_17] : memref<2056x128xf32, #tpu.memory_space<vmem>>, vector<56x128xf32>
    tpu.vector_store %arg2[%swap3A_16, %swap3A_17], %broadcast_in_dim3A_15 {strides = array<i32>} : memref<2056x128xf32, #tpu.memory_space<vmem>>, vector<56x128xf32>,
    return
  }
}

module attributes {stable_mosaic.version = 14 : i64} {
  func.func @_tc2_body(%arg0: i32, %arg1: memref<2000x128xf32, #tpu.memory_space<vmem>>, %arg2: memref<2000x128xf32, #tpu.memory_space<vmem>>, %arg3: memref<128x128xbf16, #tpu.memory_space<vmem>>, %arg4: memref<128x128xbf16, #tpu.memory_space<vmem>>, %arg5: memref<1x128xf32, #tpu.memory_space<vmem>>, %arg6: memref<1x128xf32, #tpu.memory_space<vmem>>, %arg7: memref<2000x128xf32, #tpu.memory_space<vmem>>) attributes {dimension_semantics = [#tpu.dimension_semantics<arbitrary>], iteration_bounds = array<i64: 50>, scalar_prefetch = 0 : i64, scratch_operands = 0 : i64, tpu.core_type = #tpu.core_type<tc>, window_params = [{transform_indices = @transform_0, window_bounds = array<i64: 2000, 128>}, {transform_indices = @transform_1, window_bounds = array<i64: 2000, 128>}, {pipeline_mode = #tpu.pipeline_mode<synchronous>, transform_indices = @transform_2, window_bounds = array<i64: 128, 128>}, {pipeline_mode = #tpu.pipeline_mode<synchronous>, transform_indices = @transform_3, window_bounds = array<i64: 128, 128>}, {pipeline_mode = #tpu.pipeline_mode<synchronous>, transform_indices = @transform_4, window_bounds = array<i64: 1, 128>}, {pipeline_mode = #tpu.pipeline_mode<synchronous>, transform_indices = @transform_5, window_bounds = array<i64: 1, 128>}, {transform_indices = @transform_6, window_bounds = array<i64: 2000, 128>}]} {
    %get3A = arith.constant 0 : index
    %get3A_0 = arith.constant 0 : index
    %get3A_1 = vector.load %arg1[%get3A, %get3A_0] : memref<2000x128xf32, #tpu.memory_space<vmem>>, vector<2000x128xf32>
    %get3A_2 = arith.constant 0 : index
    %get3A_3 = arith.constant 0 : index
    %get3A_4 = vector.load %arg2[%get3A_2, %get3A_3] : memref<2000x128xf32, #tpu.memory_space<vmem>>, vector<2000x128xf32>
    %convert_element_type3A = arith.truncf %get3A_1 : vector<2000x128xf32> to vector<2000x128xbf16>
    %get3A_5 = arith.constant 0 : index
    %get3A_6 = arith.constant 0 : index
    %get3A_7 = vector.load %arg3[%get3A_5, %get3A_6] : memref<128x128xbf16, #tpu.memory_space<vmem>>, vector<128x128xbf16>
    %dot_general3A = arith.constant dense<0.000000e+00> : vector<2000x128xf32>
    %dot_general3A_8 = tpu.matmul %convert_element_type3A, %get3A_7, %dot_general3A {dimension_numbers = #tpu.dot_dimension_numbers<[1], [0], [0], [1], [0, 0, 1, 1], [], []>, transpose_lhs_hint = false} : vector<2000x128xbf16>, vector<128x128xbf16>, vector<2000x128xf32> -> vector<2000x128xf32>
    %convert_element_type3A_9 = arith.truncf %get3A_4 : vector<2000x128xf32> to vector<2000x128xbf16>
    %get3A_10 = arith.constant 0 : index
    %get3A_11 = arith.constant 0 : index
    %get3A_12 = vector.load %arg4[%get3A_10, %get3A_11] : memref<128x128xbf16, #tpu.memory_space<vmem>>, vector<128x128xbf16>
    %dot_general3A_13 = arith.constant dense<0.000000e+00> : vector<2000x128xf32>
    %dot_general3A_14 = tpu.matmul %convert_element_type3A_9, %get3A_12, %dot_general3A_13 {dimension_numbers = #tpu.dot_dimension_numbers<[1], [0], [0], [1], [0, 0, 1, 1], [], []>, transpose_lhs_hint = false} : vector<2000x128xbf16>, vector<128x128xbf16>, vector<2000x128xf32> -> vector<2000x128xf32>
    %add3A = arith.addf %dot_general3A_8, %dot_general3A_14 : vector<2000x128xf32>
    %get3A_15 = arith.constant 0 : index
    %get3A_16 = arith.constant 0 : index
    %get3A_17 = vector.load %arg5[%get3A_15, %get3A_16] : memref<1x128xf32, #tpu.memory_space<vmem>>, vector<1x128xf32>
    %add3A_18 = vector.broadcast %get3A_17 : vector<1x128xf32> to vector<2000x128xf32>
    %add3A_19 = arith.addf %add3A, %add3A_18 : vector<2000x128xf32>
    %tanh3A = math.tanh %add3A_19 : vector<2000x128xf32>
    %get3A_20 = arith.constant 0 : index
    %get3A_21 = arith.constant 0 : index
    %get3A_22 = vector.load %arg6[%get3A_20, %get3A_21] : memref<1x128xf32, #tpu.memory_space<vmem>>, vector<1x128xf32>
    %mul3A = vector.broadcast %get3A_22 : vector<1x128xf32> to vector<2000x128xf32>
    %mul3A_23 = arith.mulf %tanh3A, %mul3A : vector<2000x128xf32>
    %reduce_sum3A = arith.constant dense<0.000000e+00> : vector<2000xf32>
    %reduce_sum3A_24 = vector.multi_reduction <add>, %mul3A_23, %reduce_sum3A [1] : vector<2000x128xf32> to vector<2000xf32>
    %broadcast_in_dim3A = vector.shape_cast %reduce_sum3A_24 : vector<2000xf32> to vector<2000x1xf32>
    %logistic3A = arith.negf %broadcast_in_dim3A : vector<2000x1xf32>
    %logistic3A_25 = math.exp %logistic3A : vector<2000x1xf32>
    %logistic3A_26 = arith.constant 1.000000e+00 : f32
    %logistic3A_27 = vector.broadcast %logistic3A_26 : f32 to vector<2000x1xf32>
    %logistic3A_28 = arith.addf %logistic3A_27, %logistic3A_25 : vector<2000x1xf32>
    %logistic3A_29 = arith.divf %logistic3A_27, %logistic3A_28 : vector<2000x1xf32>
    %mul3A_30 = vector.broadcast %logistic3A_29 : vector<2000x1xf32> to vector<2000x128xf32>
    %mul3A_31 = arith.mulf %get3A_4, %mul3A_30 : vector<2000x128xf32>
    %add3A_32 = arith.addf %get3A_1, %mul3A_31 : vector<2000x128xf32>
    %swap3A = arith.constant 0 : index
    %swap3A_33 = arith.constant 0 : index
    %swap3A_34 = vector.load %arg7[%swap3A, %swap3A_33] : memref<2000x128xf32, #tpu.memory_space<vmem>>, vector<2000x128xf32>
    tpu.vector_store %arg7[%swap3A, %swap3A_33], %add3A_32 {strides = array<i32>} : memref<2000x128xf32, #tpu.memory_space<vmem>>, vector<2000x128xf32>,
    return
  }
  func.func @transform_0(%arg0: i32) -> (i32, i32) {
    %c0_i32 = arith.constant 0 : i32
    %c0_i32_0 = arith.constant 0 : i32
    return %arg0, %c0_i32 : i32, i32
  }
  func.func @transform_1(%arg0: i32) -> (i32, i32) {
    %c0_i32 = arith.constant 0 : i32
    %c0_i32_0 = arith.constant 0 : i32
    return %arg0, %c0_i32 : i32, i32
  }
  func.func @transform_2(%arg0: i32) -> (i32, i32) {
    %c0_i32 = arith.constant 0 : i32
    %c0_i32_0 = arith.constant 0 : i32
    %c0_i32_1 = arith.constant 0 : i32
    return %c0_i32, %c0_i32_0 : i32, i32
  }
  func.func @transform_3(%arg0: i32) -> (i32, i32) {
    %c0_i32 = arith.constant 0 : i32
    %c0_i32_0 = arith.constant 0 : i32
    %c0_i32_1 = arith.constant 0 : i32
    return %c0_i32, %c0_i32_0 : i32, i32
  }
  func.func @transform_4(%arg0: i32) -> (i32, i32) {
    %c0_i32 = arith.constant 0 : i32
    %c0_i32_0 = arith.constant 0 : i32
    %c0_i32_1 = arith.constant 0 : i32
    return %c0_i32, %c0_i32_0 : i32, i32
  }
  func.func @transform_5(%arg0: i32) -> (i32, i32) {
    %c0_i32 = arith.constant 0 : i32
    %c0_i32_0 = arith.constant 0 : i32
    %c0_i32_1 = arith.constant 0 : i32
    return %c0_i32, %c0_i32_0 : i32, i32
  }
  func.func @transform_6(%arg0: i32) -> (i32, i32) {
    %c0_i32 = arith.constant 0 : i32
    %c0_i32_0 = arith.constant 0 : i32
    return %arg0, %c0_i32 : i32, i32
  }
}

</mosaic_0001>

<sc_bundles>
// kernel: kernel.10.cloned.1.call-start
scs
__scs_entry_jumppad:
0x0: {  	(pc) =	sbr.rel $0x88, $3  }
0x1: {  	(tag) =	ssettag $0x0;
	lr =	simm.s32 $0x1  }
0x2: {  	[smem:$0x3F99] =	sst lr;
	_ =	strace $0xD0000000  }
0x3: {  	_ = 	snop  }
0x4: {  	_ = 	snop  }
0x5: {  	_ = 	snop  }
0x6: {  	_ = 	snop  }
0x7: {  	_ = 	snop  }
__scs_overlays_trampoline_lowered:
0x8: {  	[smem:$0x3FA8] =	sst s0  }
0x9: {  	[smem:$0x3FA9] =	sst s1  }
0xa: {  	[smem:$0x3FAA] =	sst s2  }
0xb: {  	[smem:$0x3FAB] =	sst s3  }
0xc: {  	[smem:$0x3FAC] =	sst s4  }
0xd: {  	[smem:$0x3FAD] =	sst s5  }
0xe: {  	[smem:$0x3FAE] =	sst s6  }
0xf: {  	[smem:$0x3FAF] =	sst s7  }
0x10: {  	[smem:$0x3FB0] =	sst s8  }
0x11: {  	[smem:$0x3FB1] =	sst s9;
	s0 =	simm.s32 @!p0 $0x0  }
0x12: {  	s1 =	sld [smem:$0x3F97];
	s0 =	simm.s32 @p0 $0x1  }
0x13: {  	[smem:$0x3FB2] =	sst s0;
	s0 =	simm.s32 @!p1 $0x0  }
0x14: {  	s2 =	sld [smem:$0x3F96];
	s0 =	simm.s32 @p1 $0x1  }
0x15: {  	[smem:$0x3FB3] =	sst s0;
	s0 =	simm.s32 @!p2 $0x0  }
0x16: {  	s3 =	sld [smem:$0x3FDB];
	s0 =	simm.s32 @p2 $0x1  }
0x17: {  	s4 =	simm.s32 $0x1BF5;
	[smem:$0x3FB5] =	sst s0  }
0x18: {  	s0 =	sld [smem:$0x3F98];
	_ =	swait.ge [sflag:s4], $0x0  }
0x19: {  	s7 =	sld [smem:$0x3F99]  }
0x1a: {  	s8 =	sadd.s32 $0xFFFFE003, lr  }
0x1b: {  	s9 =	sadd.s32 $0xFFFFFEF7, lr;
	s5 =	simm.s32 $0xFFFFFFFF;
	p2 =	slt.u32 s8, $0xFFFFF086  }
0x1c: {  	p1 =	slt.u32 s9, $0xF7A;
	s5 =	simm.s32 @!p2 $0x0  }
0x1d: {  	s5 =	simm.s32 @p1 $0x1;
	p0 =	seq.s32 s7, s2  }
0x1e: {  	s7 =	smul.u32 @!p0 $0xF7A, s2;
	p2 =	seq.s32 @!p0 s5, $0x0  }
0x1f: {  	s9 =	smul.u32 $0xF7A, s1;
	s8 =	simm.s32 @!p0 $0x1BF5;
	p2 =	por !p2, p0  }
0x20: {  	[sflag:s8] =	ssyncset.s32 @!p0 $0xFFFFF086;
	s6 =	sadd.s32 @!p0 s3, s7;
	s7 =	simm.s32 @!p0 $0x108  }
0x21: {  	s3 =	sadd.s32 s3, s9;
	s6 =	sadd.s32 @!p0 $0x88, s6;
	s7 =	simm.s32 @p2 $0x1082  }
0x22: {  	[simem:s7], [sflag:s8] =	dma.local @!p0 [hbm:s6], $0xF7A  }
0x23: {  	s9 =	sor.u32 $0xD0000000, s2;
	s6 =	simm.s32 $0x108;
	_ =	swait.ge @!p0 [sflag:s8], $0x0  }
0x24: {  	s3 =	sadd.s32 $0x88, s3;
	s6 =	simm.s32 @!p1 $0x1082;
	[sflag:s4] =	ssyncset.s32 $0xFFFFF086  }
0x25: {  	[simem:s6], [sflag:s4] =	dma.local [hbm:s3], $0xF7A  }
0x26: {  	[smem:$0x3F99] =	sst s1;
	(tag) =	ssettag s2;
	_ =	strace s9  }
0x27: {  	s1 =	sld [smem:$0x3FA9]  }
0x28: {  	s2 =	sld [smem:$0x3FAA]  }
0x29: {  	s4 =	sld [smem:$0x3FAC]  }
0x2a: {  	p0 =	seq.s32 s5, $0x0;
	s5 =	sld [smem:$0x3FAD]  }
0x2b: {  	s6 =	sld [smem:$0x3FAE]  }
0x2c: {  	s7 =	sld [smem:$0x3FAF]  }
0x2d: {  	s3 =	simm.s32 $0x108;
	s8 =	sld [smem:$0x3FB0]  }
0x2e: {  	s3 =	simm.s32 @!p0 $0x1082;
	s9 =	sld [smem:$0x3FB1]  }
0x2f: {  	lr =	sadd.s32 s0, s3;
	s0 =	sld [smem:$0x3FA8]  }
0x30: {  	s3 =	sld [smem:$0x3FAB]  }
0x31: {  	[smem:$0x3FB4] =	sst s10  }
0x32: {  	s10 =	sld [smem:$0x3FB2];
	_ =	sdelay $0x3  }
0x33: {  	p0 =	seq.s32 s10, $0x1;
	s10 =	sld [smem:$0x3FB4];
	_ =	sdelay $0x3  }
0x34: {  	[smem:$0x3FB4] =	sst s10  }
0x35: {  	s10 =	sld [smem:$0x3FB3];
	_ =	sdelay $0x3  }
0x36: {  	p1 =	seq.s32 s10, $0x1;
	s10 =	sld [smem:$0x3FB4];
	_ =	sdelay $0x3  }
0x37: {  	[smem:$0x3FB4] =	sst s10  }
0x38: {  	s10 =	sld [smem:$0x3FB5]  }
0x39: {  	_ = 	snop;
	(pc) =	sbr.ind lr, $3  }
0x3a: {  	_ = 	snop  }
0x3b: {  	_ = 	snop  }
0x3c: {  	p2 =	seq.s32 s10, $0x1;
	s10 =	sld [smem:$0x3FB4]  }
0x3d: {  	_ =	shalt  }
0x3e: {  	_ =	shalt  }
0x3f: {  	_ =	shalt  }
0x40: {  	_ =	shalt  }
0x41: {  	_ =	shalt  }
0x42: {  	_ =	shalt  }
0x43: {  	_ =	shalt  }
0x44: {  	_ =	shalt  }
0x45: {  	_ =	shalt  }
0x46: {  	_ =	shalt  }
0x47: {  	_ =	shalt  }
0x48: {  	_ =	shalt  }
0x49: {  	_ =	shalt  }
0x4a: {  	_ =	shalt  }
0x4b: {  	_ =	shalt  }
0x4c: {  	_ =	shalt  }
0x4d: {  	_ =	shalt  }
0x4e: {  	_ =	shalt  }
0x4f: {  	_ =	shalt  }
0x50: {  	_ =	shalt  }
0x51: {  	_ =	shalt  }
0x52: {  	_ =	shalt  }
0x53: {  	_ =	shalt  }
0x54: {  	_ =	shalt  }
0x55: {  	_ =	shalt  }
0x56: {  	_ =	shalt  }
0x57: {  	_ =	shalt  }
0x58: {  	_ =	shalt  }
0x59: {  	_ =	shalt  }
0x5a: {  	_ =	shalt  }
0x5b: {  	_ =	shalt  }
0x5c: {  	_ =	shalt  }
0x5d: {  	_ =	shalt  }
0x5e: {  	_ =	shalt  }
0x5f: {  	_ =	shalt  }
0x60: {  	_ =	shalt  }
0x61: {  	_ =	shalt  }
0x62: {  	_ =	shalt  }
0x63: {  	_ =	shalt  }
0x64: {  	_ =	shalt  }
0x65: {  	_ =	shalt  }
0x66: {  	_ =	shalt  }
0x67: {  	_ =	shalt  }
0x68: {  	_ =	shalt  }
0x69: {  	_ =	shalt  }
0x6a: {  	_ =	shalt  }
0x6b: {  	_ =	shalt  }
0x6c: {  	_ =	shalt  }
0x6d: {  	_ =	shalt  }
0x6e: {  	_ =	shalt  }
0x6f: {  	_ =	shalt  }
0x70: {  	_ =	shalt  }
0x71: {  	_ =	shalt  }
0x72: {  	_ =	shalt  }
0x73: {  	_ =	shalt  }
0x74: {  	_ =	shalt  }
0x75: {  	_ =	shalt  }
0x76: {  	_ =	shalt  }
0x77: {  	_ =	shalt  }
0x78: {  	_ =	shalt  }
0x79: {  	_ =	shalt  }
0x7a: {  	_ =	shalt  }
0x7b: {  	_ =	shalt  }
0x7c: {  	_ =	shalt  }
0x7d: {  	_ =	shalt  }
0x7e: {  	_ =	shalt  }
0x7f: {  	_ =	shalt  }
0x80: {  	_ =	shalt  }
0x81: {  	_ =	shalt  }
0x82: {  	_ =	shalt  }
0x83: {  	_ =	shalt  }
0x84: {  	_ =	shalt  }
0x85: {  	_ =	shalt  }
0x86: {  	_ =	shalt  }
0x87: {  	_ =	shalt  }
.Lfunc_end0:
.L_simem_size_0:
called_computation.1_lowered:
.L_overlay_start_0:
0x88: {  	s2 =	sld [smem:$0x3FD9]  }
0x89: {  	s3 =	sld [smem:$0x3FFE];
	_ =	sdelay $0x1  }
0x8a: {  	s1 =	srdreg.scid  }
0x8b: {  	s0 =	sand.u32 $0x1, s1  }
0x8c: {  	s14 =	sshll.u32 s0, $0xA;
	s2 =	sadd.s32 s3, s2  }
0x8d: {  	s2 =	sadd.s32 s2, s14  }
0x8e: {  	[smem:$0x3FC0] =	sst s2  }
0x8f: {  	_ = 	snop  }
0x90: {  	s2 =	sld [smem:$0x3FD0];
	_ =	sdelay $0x2  }
0x91: {  	s15 =	simm.s32 $0xA;
	s4 =	simm.s32 $0x10  }
0x92: {  	[smem:s4], [sflag:s15] =	dma.local [hbm:s2], $0x1  }
0x93: {  	_ =	swait.eq [sflag:s15], $0x1  }
0x94: {  	[sflag:s15] =	ssyncset.done $0x0  }
0x95: {  	[sflag:s15] =	ssyncadd.s32 $0xFFFFFFFF  }
0x96: {  	s16 =	sld [smem:$0x10];
	(tm) =	ssettm $0x1  }
0x97: {  	s17 =	sld [smem:$0x3FFB];
	_ =	sdelay $0x3  }
0x98: {  	_ =	strace s17  }
0x99: {  	s3 =	sld [smem:$0x3FFC];
	_ =	sdelay $0x3  }
0x9a: {  	_ =	strace s3  }
0x9b: {  	s3 =	sld [smem:$0x3FFD];
	_ =	sdelay $0x3  }
0x9c: {  	_ =	strace s3  }
0x9d: {  	_ =	strace $0x8FFFFFFF  }
0x9e: {  	s18 =	sld [smem:$0x3FDB];
	_ =	sdelay $0x1  }
0x9f: {  	s19 =	simm.s32 $_scs_section_size  }
0xa0: {  	s5 =	simm.s32 $_size__tile_overlayer_lowered;
	s6 =	simm.s32 $_tile_overlayer_lowered  }
0xa1: {  	s22 =	simm.s32 $0x1BFF;
	s21 =	sshll.u32 s6, $0x1;
	s3 =	sadd.s32 s19, s18  }
0xa2: {  	s7 =	simm.s32 $0x0;
	s20 =	sshll.u32 s5, $0x1;
	s5 =	sadd.s32 s21, s3  }
0xa3: {  	[timem:s7], [sflag:s22] =	dma.local [hbm:s5], s20  }
0xa4: {  	_ =	swait.ge [sflag:s22], s20  }
0xa5: {  	s4 =	ssub.s32 $0x0, s20;
	[sflag:s22] =	ssyncset.done $0x0  }
0xa6: {  	[sflag:s22] =	ssyncadd.s32 s4;
	_ =	sdelay $0x1  }
0xa7: {  	s23 =	simm.s32 $0x1B8B  }
0xa8: {  	_ =	swait.ge [sflag:s23], $0x1  }
0xa9: {  	[sflag:s23] =	ssyncset.done $0x0  }
0xaa: {  	s25 =	simm.s32 $0x1B8E;
	s24 =	sld [smem:$0x3FFE];
	[sflag:s23] =	ssyncadd.s32 $0xFFFFFFFF  }
0xab: {  	s26 =	simm.s32 $execute0_lowered;
	[smem:$0x3FD2] =	sst s25  }
0xac: {  	s5 =	sshll.u32 s26, $0x1;
	_ =	strace $0x80000049;
	[dreg:$0x1] =	wrdreg $0xFFFFFFFF  }
0xad: {  	s28 =	simm.s32 $_size_execute0_lowered;
	s3 =	sadd.s32 s3, s5;
	[dreg:$0x0] =	wrdreg $0x0  }
0xae: {  	s5 =	sshll.u32 s28, $0x1;
	[dreg:$0x2] =	wrdreg s3  }
0xaf: {  	[dreg:$0x3] =	wrdreg s5  }
0xb0: {  	[dreg:$0x4] =	wrdreg $0xC0  }
0xb1: {  	_ =	task [dreg:s7], $0x5FFFF  }
0xb2: {  	[dreg:$0x1] =	wrdreg $0xFFFFFFFF  }
0xb3: {  	[dreg:$0x0] =	wrdreg $0x60  }
0xb4: {  	[dreg:$0x2] =	wrdreg s24  }
0xb5: {  	[dreg:$0x3] =	wrdreg s16  }
0xb6: {  	[dreg:$0x4] =	wrdreg $0x9  }
0xb7: {  	_ =	task.clear_ibuf [dreg:s7], $0x5FFFF;
	_ =	strace $0x90000049  }
0xb8: {  	s29 =	simm.s32 $0x9;
	_ =	strace $0x8000004B  }
0xb9: {  	_ =	swait.ge [sflag:s29], $0x1  }
0xba: {  	[sflag:s29] =	ssyncadd.s32 $0xFFFFFFFF  }
0xbb: {  	_ =	strace $0x9000004B  }
0xbc: {  	_ =	sfence  }
0xbd: {  	s30 =	sld [smem:$0x0];
	_ =	sdelay $0x2  }
0xbe: {  	s31 =	sshll.u32 s1, $0xD;
	s1 =	sshrl.u32 s1, $0x2  }
0xbf: {  	s3 =	sand.u32 $0x4000, s31;
	s1 =	sadd.s32 s1, s30  }
0xc0: {  	s0 =	sor.u32 s3, s0;
	s1 =	sshll.u32 s1, $0x11  }
0xc1: {  	s0 =	sor.u32 s1, s0  }
0xc2: {  	s0 =	sadd.s32 $0x8F2B, s0  }
0xc3: {  	[sflag:s0] =	ssyncadd.remote.s32 $0x1  }
0xc4: {  	_ =	sfence.sel $0xFFFF  }
0xc5: {  	[dreg:$0x0] =	wrdreg $0xFFFFFFFF;
	(pc) =	sbr.abs _section_cstart, $3  }
0xc6: {  	[dreg:$0x1] =	wrdreg $0xFFFFFFFF  }
0xc7: {  	_ =	task.clear_ibuf [dreg:s7], $0x2FFFF;
	_ =	strace $0x9FFFFFFF  }
0xc8: {  	(tm) =	ssettm $0x7FFFFFFF  }
0xc9: {  	_ =	shalt  }
tec
execute0_lowered:
.L_overlay_start_1:
0x0: {  	(tag) =	ssettag $0x1  }
0x1: {  	s4 =	rddreg [dreg:$0x0]  }
0x2: {  	s0 =	srdreg.scid;
	s2 =	rddreg [dreg:$0x1]  }
0x3: {  	s1 =	stileid.u32;
	s3 =	simm.s32 $0x0;
	s11 =	simm.s32 $0x0  }
0x4: {  	s5 =	sand.u32 $0x1, s0;
	s0 =	rddreg [dreg:$0x2];
	s10 =	smul.u32 $0xC400, s1  }
0x5: {  	[smem:$0x7FF] =	sst s3;
	s6 =	sshll.u32 s5, $0x4;
	s8 =	smul.u32 $0xC4000, s5  }
0x6: {  	_ =	strace $0x8000004A;
	s5 =	ssub.s32 $0x2, s5;
	s6 =	sor.u32 s1, s6  }
0x7: {  	s9 =	sshrl.u32 s5, $0x1;
	s7 =	smul.u32 $0xC40, s6;
	s8 =	sadd.s32 s8, s4  }
0x8: {  	s5 =	ssub.s32 s5, s9;
	s30 =	smul.u32 $0x808, s6;
	s9 =	simm.s32 $0xC40  }
0x9: {  	s5 =	smax.u32 s5, $0x1;
	s31 =	sadd.s32 s10, s8;
	s7 =	sshrl.u32 s7, $0x3  }
0xa: {  	s8 =	simm.s32 $0x70;
	s10 =	simm.s32 $0x4440;
	s7 =	sadd.s32 s7, s4  }
0xb: {  	s6 =	sadd.s32 $0x13400, s31;
	v0 =	vmov s30;
	s4 =	sadd.s32 $0x10200, s7;
	s7 =	simm.s32 $0x4  }
.LBB2_1:
0xc: {  	v1 =	vlaneseq.u32  }
0xd: {  	[tilespmem:s3], [sflag:$0x4] =	stream.linear.gather [hbm4b:s4+s3], $0xC40, $0x38;
	[tilespmem:$0xB440] =	vst v63  }
0xe: {  	_ =	swait.ge [sflag:s7], $0xC40  }
0xf: {  	[sflag:s7] =	ssyncset.done $0x0  }
0x10: {  	[sflag:s7] =	ssyncadd.s32 $0xFFFFF3C0  }
0x11: {  	s12 =	simm.s32 $0xC3;
	v2 =	vlaneseq.u32;
	v3 =	vld.idx.msk [tilespmem:v1+s3+$0x0], $0xffff  }
.LBB2_2:
0x12: {  	p0 =	sne.s32 s12, $0x1;
	_ =	sdelay $0x3  }
0x13: {  	v1 =	vadd.s32 $0x10, v1  }
.Ltmp0:
0x14: {  	vm0 =	vlt.s32 v3, $0x0;
	(pc) =	sbr.rel @p0 .LBB2_2-.Ltmp0, $4  }
0x15: {  	v3 =	vsel vm0, $0x800, v3  }
0x16: {  	v3 =	vadd.s32 v0, v3  }
0x17: {  	[tilespmem:v2+s3+$0x0] =	vst.idx.msk $0xffff, v3;
	v2 =	vmov v1  }
0x18: {  	s12 =	sadd.s32 $0xFFFFFFFF, s12;
	v3 =	vld.idx.msk [tilespmem:v1+s3+$0x0], $0xffff  }
0x19: {  	s12 =	simm.s32 $0x2;
	p0 =	por $0x0, $0x0  }
0x1a: {  	s12 =	smul.u32 @!p0 $0xAB, s12  }
0x1b: {  	s13 =	simm.s32 $0x0  }
0x1c: {  	s13 =	smul.u32 $0xAB, s13;
	s12 =	sshrl.u32 @!p0 s12, $0x9  }
0x1d: {  	vm0 =	vlt.s32 v3, $0x0;
	s12 =	sand.u32 @!p0 $0x7F, s12  }
0x1e: {  	s13 =	sshrl.u32 s13, $0x9;
	v1 =	vsel vm0, $0x800, v3;
	s12 =	smul.u32 @!p0 $0x3, s12  }
0x1f: {  	s16 =	simm.s32 $0xE0;
	s14 =	simm.s32 $0x3;
	s13 =	sand.u32 $0x7F, s13;
	v1 =	vadd.s32 v0, v1  }
0x20: {  	s15 =	simm.s32 $0x4;
	s13 =	smul.u32 $0x3, s13;
	[tilespmem:v2+s3+$0x0] =	vst.idx.msk $0xffff, v1;
	s12 =	ssub.s32 @!p0 $0x2, s12  }
0x21: {  	[tilespmem:s9], [sflag:$0x1] =	stream.indirect.gather [hbm4b:s2+s8], $0x80, s3, s8, $0xb8;
	[tilespmem:$0xB440] =	vst v63  }
0x22: {  	s20 =	simm.s32 @!p0 $0x70;
	s19 =	ssub.s32 $0x0, s13;
	s12 =	sand.u32 @!p0 $0xFF, s12  }
0x23: {  	s13 =	simm.s32 $0x150;
	s19 =	sand.u32 $0xFF, s19;
	s17 =	smul.u32 @!p0 $0xE000, s12  }
0x24: {  	[tilespmem:s10], [sflag:$0x2] =	stream.indirect.gather [hbm4b:s2+s8], $0x80, s8, s8, $0xb8;
	[tilespmem:$0xB440] =	vst v63  }
0x25: {  	s18 =	sadd.s32 @!p0 $0x1, s12;
	s12 =	sadd.s32 $0x700, s6;
	s17 =	sshrl.u32 @!p0 s17, $0x2  }
0x26: {  	s21 =	sadd.s32 $0x1, s19;
	s19 =	smul.u32 $0xE000, s19;
	s17 =	sadd.s32 @!p0 $0xC40, s17  }
0x27: {  	[tilespmem:s17], [sflag:s18] =	stream.indirect.gather @!p0 [hbm4b:s2+s20], $0x80, s16, s20, $0xb8;
	[tilespmem:$0xB440] =	vst v63  }
0x28: {  	s29 =	sshrl.u32 s19, $0x2;
	s16 =	simm.s32 $0x1;
	_ =	swait.ge [sflag:s21], $0x3800  }
0x29: {  	p0 =	por $0x0, $0x0;
	s30 =	smul.u32 $0xAB, s16;
	[sflag:s21] =	ssyncset.done $0x0  }
0x2a: {  	s17 =	sadd.s32 $0xC40, s29;
	s19 =	smul.u32 @!p0 $0xAB, s14;
	[sflag:s21] =	ssyncadd.s32 $0xFFFFC800  }
0x2b: {  	[hbm4b:s6+s3] =	stream.linear.scatter [tilespmem:s17], [sflag:$0x4], $0x3800, $0x38;
	[tilespmem:$0xB440] =	vst v63  }
0x2c: {  	s31 =	sshrl.u32 s30, $0x9;
	s18 =	sshrl.u32 @!p0 s19, $0x9;
	_ =	swait.ge [sflag:s7], $0x3800  }
0x2d: {  	s17 =	sand.u32 $0x7F, s31;
	s18 =	sand.u32 @!p0 $0x7F, s18;
	[sflag:s7] =	ssyncset.done $0x0  }
.LBB2_4:
0x2e: {  	s18 =	smul.u32 @!p0 $0x3, s18;
	[sflag:s7] =	ssyncadd.s32 $0xFFFFC800;
	s19 =	smov.u32 s15  }
0x2f: {  	s15 =	sadd.s32 $0x1, s15;
	s20 =	smov.u32 s13;
	s21 =	smov.u32 s12  }
0x30: {  	p1 =	sne.s32 s15, $0x1E  }
0x31: {  	s17 =	smul.u32 $0x3, s17;
	s18 =	ssub.s32 @!p0 s14, s18;
	s14 =	smov.u32 s19  }
0x32: {  	s18 =	sand.u32 @!p0 $0xFF, s18  }
0x33: {  	s16 =	ssub.s32 s16, s17;
	s19 =	smul.u32 @!p0 $0xE000, s18;
	s18 =	sadd.s32 @!p0 $0x1, s18  }
0x34: {  	s13 =	sadd.s32 $0x70, s13;
	s12 =	sadd.s32 $0x700, s12;
	s16 =	sand.u32 $0xFF, s16  }
0x35: {  	s22 =	sadd.s32 $0x1, s16;
	s17 =	sshrl.u32 @!p0 s19, $0x2;
	s19 =	simm.s32 @!p0 $0x70  }
0x36: {  	s23 =	smul.u32 $0xE000, s16;
	s16 =	sadd.s32 $0xFFFFFFFE, s14;
	s17 =	sadd.s32 @!p0 $0xC40, s17  }
0x37: {  	[tilespmem:s17], [sflag:s18] =	stream.indirect.gather @!p0 [hbm4b:s2+s19], $0x80, s20, s19, $0xb8;
	[tilespmem:$0xB440] =	vst v63  }
0x38: {  	s17 =	sshrl.u32 s23, $0x2;
	s18 =	smul.u32 $0xAB, s16;
	_ =	swait.ge [sflag:s22], $0x3800  }
.Ltmp1:
0x39: {  	p0 =	sgt.u32 s16, $0x19;
	[sflag:s22] =	ssyncset.done $0x0;
	(pc) =	sbr.rel @p1 .LBB2_4-.Ltmp1, $4  }
0x3a: {  	s19 =	smul.u32 @!p0 $0xAB, s14;
	s17 =	sadd.s32 $0xC40, s17;
	[sflag:s22] =	ssyncadd.s32 $0xFFFFC800  }
0x3b: {  	[hbm4b:s21+s3] =	stream.linear.scatter [tilespmem:s17], [sflag:$0x4], $0x3800, $0x38;
	[tilespmem:$0xB440] =	vst v63  }
0x3c: {  	s17 =	sshrl.u32 s18, $0x9;
	s18 =	sshrl.u32 @!p0 s19, $0x9;
	_ =	swait.ge [sflag:s7], $0x3800  }
0x3d: {  	s17 =	sand.u32 $0x7F, s17;
	s18 =	sand.u32 @!p0 $0x7F, s18;
	[sflag:s7] =	ssyncset.done $0x0  }
0x3e: {  	s15 =	smul.u32 @!p0 $0x3, s18;
	_ =	sdelay $0x1  }
0x3f: {  	s29 =	smul.u32 $0x3, s17;
	s14 =	ssub.s32 @!p0 s14, s15  }
0x40: {  	s14 =	sand.u32 @!p0 $0xFF, s14  }
0x41: {  	s15 =	ssub.s32 s16, s29;
	s17 =	smul.u32 @!p0 $0xE000, s14  }
0x42: {  	[sflag:s7] =	ssyncadd.s32 $0xFFFFC800;
	s15 =	sand.u32 $0xFF, s15  }
0x43: {  	s14 =	sadd.s32 @!p0 $0x1, s14;
	s30 =	sadd.s32 $0x1, s15;
	s16 =	sshrl.u32 @!p0 s17, $0x2  }
0x44: {  	s15 =	smul.u32 $0xE000, s15;
	s17 =	simm.s32 @!p0 $0x70;
	s16 =	sadd.s32 @!p0 $0xC40, s16  }
0x45: {  	[tilespmem:s16], [sflag:s14] =	stream.indirect.gather @!p0 [hbm4b:s2+s17], $0x80, s13, s17, $0xb8;
	[tilespmem:$0xB440] =	vst v63  }
0x46: {  	s11 =	sadd.s32 $0x1, s11;
	_ =	swait.ge [sflag:s30], $0x3800  }
0x47: {  	s31 =	sshrl.u32 s15, $0x2;
	p0 =	sne.s32 s11, s5;
	[sflag:s30] =	ssyncset.done $0x0  }
.Ltmp2:
0x48: {  	s13 =	sadd.s32 $0xC40, s31;
	[sflag:s30] =	ssyncadd.s32 $0xFFFFC800;
	(pc) =	sbr.rel @p0 .LBB2_1-.Ltmp2, $4  }
0x49: {  	[hbm4b:s12+s3] =	stream.linear.scatter [tilespmem:s13], [sflag:$0x4], $0x3800, $0x38;
	[tilespmem:$0xB440] =	vst v63  }
0x4a: {  	_ =	swait.ge [sflag:s7], $0x3800  }
0x4b: {  	[sflag:s7] =	ssyncset.done $0x0  }
0x4c: {  	[sflag:s7] =	ssyncadd.s32 $0xFFFFC800  }
0x4d: {  	_ =	sfence.sel $0x180000  }
0x4e: {  	[bflag:$0x0] =	sbarrier.arrive $0xFFFF  }
0x4f: {  	p0 =	sne.s32 s1, $0x0;
	_ =	strace $0x9000004A  }
0x50: {  	s0 =	sadd.s32 @!p0 $0x100000, s0;
	[bflag:$0x2] =	sbarrier.arrive $0xFFFF  }
0x51: {  	[sflag:s0] =	ssyncadd.tile.s32 @!p0 $0x1;
	_ =	shalt  }
.Lfunc_end2:
_tile_overlayer_lowered:
.L_overlay_start_2:
0x52: {  	(tag) =	ssettag $0x2  }
0x53: {  	s0 =	rddreg [dreg:$0x0];
	s2 =	stileid.u32  }
0x54: {  	s1 =	rddreg [dreg:$0x1];
	p0 =	sne.s32 s2, $0x0  }
0x55: {  	s3 =	rddreg [dreg:$0x2];
	[bflag:$0x3] =	sbarrier.arrive $0xFFFF;
	s2 =	simm.s32 @!p0 $0x1C04  }
0x56: {  	[timem:s3], [sflag:s2] =	dma.local @!p0 [hbm:s0], s1  }
0x57: {  	s0 =	simm.s32 @!p0 $0x4  }
0x58: {  	_ =	swait.ge @!p0 [sflag:s0], s1  }
0x59: {  	s1 =	ssub.s32 @!p0 $0x0, s1;
	[sflag:s0] =	ssyncset.done @!p0 $0x0  }
0x5a: {  	[sflag:s0] =	ssyncadd.s32 @!p0 s1  }
0x5b: {  	[bflag:$0x3] =	sbarrier.arrive $0xFFFF  }
0x5c: {  	_ =	shalt  }

// kernel: kernel.7.cloned.1.call-start
scs
__scs_entry_jumppad:
0x0: {  	(pc) =	sbr.rel $0x88, $3  }
0x1: {  	(tag) =	ssettag $0x0;
	lr =	simm.s32 $0x1  }
0x2: {  	[smem:$0x3F99] =	sst lr;
	_ =	strace $0xD0000000  }
0x3: {  	_ = 	snop  }
0x4: {  	_ = 	snop  }
0x5: {  	_ = 	snop  }
0x6: {  	_ = 	snop  }
0x7: {  	_ = 	snop  }
__scs_overlays_trampoline_lowered:
0x8: {  	[smem:$0x3FA8] =	sst s0  }
0x9: {  	[smem:$0x3FA9] =	sst s1  }
0xa: {  	[smem:$0x3FAA] =	sst s2  }
0xb: {  	[smem:$0x3FAB] =	sst s3  }
0xc: {  	[smem:$0x3FAC] =	sst s4  }
0xd: {  	[smem:$0x3FAD] =	sst s5  }
0xe: {  	[smem:$0x3FAE] =	sst s6  }
0xf: {  	[smem:$0x3FAF] =	sst s7  }
0x10: {  	[smem:$0x3FB0] =	sst s8  }
0x11: {  	[smem:$0x3FB1] =	sst s9;
	s0 =	simm.s32 @!p0 $0x0  }
0x12: {  	s1 =	sld [smem:$0x3F97];
	s0 =	simm.s32 @p0 $0x1  }
0x13: {  	[smem:$0x3FB2] =	sst s0;
	s0 =	simm.s32 @!p1 $0x0  }
0x14: {  	s2 =	sld [smem:$0x3F96];
	s0 =	simm.s32 @p1 $0x1  }
0x15: {  	[smem:$0x3FB3] =	sst s0;
	s0 =	simm.s32 @!p2 $0x0  }
0x16: {  	s3 =	sld [smem:$0x3FDB];
	s0 =	simm.s32 @p2 $0x1  }
0x17: {  	s4 =	simm.s32 $0x1BF5;
	[smem:$0x3FB5] =	sst s0  }
0x18: {  	s0 =	sld [smem:$0x3F98];
	_ =	swait.ge [sflag:s4], $0x0  }
0x19: {  	s7 =	sld [smem:$0x3F99]  }
0x1a: {  	s8 =	sadd.s32 $0xFFFFE003, lr  }
0x1b: {  	s9 =	sadd.s32 $0xFFFFFEF7, lr;
	s5 =	simm.s32 $0xFFFFFFFF;
	p2 =	slt.u32 s8, $0xFFFFF086  }
0x1c: {  	p1 =	slt.u32 s9, $0xF7A;
	s5 =	simm.s32 @!p2 $0x0  }
0x1d: {  	s5 =	simm.s32 @p1 $0x1;
	p0 =	seq.s32 s7, s2  }
0x1e: {  	s7 =	smul.u32 @!p0 $0xF7A, s2;
	p2 =	seq.s32 @!p0 s5, $0x0  }
0x1f: {  	s9 =	smul.u32 $0xF7A, s1;
	s8 =	simm.s32 @!p0 $0x1BF5;
	p2 =	por !p2, p0  }
0x20: {  	[sflag:s8] =	ssyncset.s32 @!p0 $0xFFFFF086;
	s6 =	sadd.s32 @!p0 s3, s7;
	s7 =	simm.s32 @!p0 $0x108  }
0x21: {  	s3 =	sadd.s32 s3, s9;
	s6 =	sadd.s32 @!p0 $0x88, s6;
	s7 =	simm.s32 @p2 $0x1082  }
0x22: {  	[simem:s7], [sflag:s8] =	dma.local @!p0 [hbm:s6], $0xF7A  }
0x23: {  	s9 =	sor.u32 $0xD0000000, s2;
	s6 =	simm.s32 $0x108;
	_ =	swait.ge @!p0 [sflag:s8], $0x0  }
0x24: {  	s3 =	sadd.s32 $0x88, s3;
	s6 =	simm.s32 @!p1 $0x1082;
	[sflag:s4] =	ssyncset.s32 $0xFFFFF086  }
0x25: {  	[simem:s6], [sflag:s4] =	dma.local [hbm:s3], $0xF7A  }
0x26: {  	[smem:$0x3F99] =	sst s1;
	(tag) =	ssettag s2;
	_ =	strace s9  }
0x27: {  	s1 =	sld [smem:$0x3FA9]  }
0x28: {  	s2 =	sld [smem:$0x3FAA]  }
0x29: {  	s4 =	sld [smem:$0x3FAC]  }
0x2a: {  	p0 =	seq.s32 s5, $0x0;
	s5 =	sld [smem:$0x3FAD]  }
0x2b: {  	s6 =	sld [smem:$0x3FAE]  }
0x2c: {  	s7 =	sld [smem:$0x3FAF]  }
0x2d: {  	s3 =	simm.s32 $0x108;
	s8 =	sld [smem:$0x3FB0]  }
0x2e: {  	s3 =	simm.s32 @!p0 $0x1082;
	s9 =	sld [smem:$0x3FB1]  }
0x2f: {  	lr =	sadd.s32 s0, s3;
	s0 =	sld [smem:$0x3FA8]  }
0x30: {  	s3 =	sld [smem:$0x3FAB]  }
0x31: {  	[smem:$0x3FB4] =	sst s10  }
0x32: {  	s10 =	sld [smem:$0x3FB2];
	_ =	sdelay $0x3  }
0x33: {  	p0 =	seq.s32 s10, $0x1;
	s10 =	sld [smem:$0x3FB4];
	_ =	sdelay $0x3  }
0x34: {  	[smem:$0x3FB4] =	sst s10  }
0x35: {  	s10 =	sld [smem:$0x3FB3];
	_ =	sdelay $0x3  }
0x36: {  	p1 =	seq.s32 s10, $0x1;
	s10 =	sld [smem:$0x3FB4];
	_ =	sdelay $0x3  }
0x37: {  	[smem:$0x3FB4] =	sst s10  }
0x38: {  	s10 =	sld [smem:$0x3FB5]  }
0x39: {  	_ = 	snop;
	(pc) =	sbr.ind lr, $3  }
0x3a: {  	_ = 	snop  }
0x3b: {  	_ = 	snop  }
0x3c: {  	p2 =	seq.s32 s10, $0x1;
	s10 =	sld [smem:$0x3FB4]  }
0x3d: {  	_ =	shalt  }
0x3e: {  	_ =	shalt  }
0x3f: {  	_ =	shalt  }
0x40: {  	_ =	shalt  }
0x41: {  	_ =	shalt  }
0x42: {  	_ =	shalt  }
0x43: {  	_ =	shalt  }
0x44: {  	_ =	shalt  }
0x45: {  	_ =	shalt  }
0x46: {  	_ =	shalt  }
0x47: {  	_ =	shalt  }
0x48: {  	_ =	shalt  }
0x49: {  	_ =	shalt  }
0x4a: {  	_ =	shalt  }
0x4b: {  	_ =	shalt  }
0x4c: {  	_ =	shalt  }
0x4d: {  	_ =	shalt  }
0x4e: {  	_ =	shalt  }
0x4f: {  	_ =	shalt  }
0x50: {  	_ =	shalt  }
0x51: {  	_ =	shalt  }
0x52: {  	_ =	shalt  }
0x53: {  	_ =	shalt  }
0x54: {  	_ =	shalt  }
0x55: {  	_ =	shalt  }
0x56: {  	_ =	shalt  }
0x57: {  	_ =	shalt  }
0x58: {  	_ =	shalt  }
0x59: {  	_ =	shalt  }
0x5a: {  	_ =	shalt  }
0x5b: {  	_ =	shalt  }
0x5c: {  	_ =	shalt  }
0x5d: {  	_ =	shalt  }
0x5e: {  	_ =	shalt  }
0x5f: {  	_ =	shalt  }
0x60: {  	_ =	shalt  }
0x61: {  	_ =	shalt  }
0x62: {  	_ =	shalt  }
0x63: {  	_ =	shalt  }
0x64: {  	_ =	shalt  }
0x65: {  	_ =	shalt  }
0x66: {  	_ =	shalt  }
0x67: {  	_ =	shalt  }
0x68: {  	_ =	shalt  }
0x69: {  	_ =	shalt  }
0x6a: {  	_ =	shalt  }
0x6b: {  	_ =	shalt  }
0x6c: {  	_ =	shalt  }
0x6d: {  	_ =	shalt  }
0x6e: {  	_ =	shalt  }
0x6f: {  	_ =	shalt  }
0x70: {  	_ =	shalt  }
0x71: {  	_ =	shalt  }
0x72: {  	_ =	shalt  }
0x73: {  	_ =	shalt  }
0x74: {  	_ =	shalt  }
0x75: {  	_ =	shalt  }
0x76: {  	_ =	shalt  }
0x77: {  	_ =	shalt  }
0x78: {  	_ =	shalt  }
0x79: {  	_ =	shalt  }
0x7a: {  	_ =	shalt  }
0x7b: {  	_ =	shalt  }
0x7c: {  	_ =	shalt  }
0x7d: {  	_ =	shalt  }
0x7e: {  	_ =	shalt  }
0x7f: {  	_ =	shalt  }
0x80: {  	_ =	shalt  }
0x81: {  	_ =	shalt  }
0x82: {  	_ =	shalt  }
0x83: {  	_ =	shalt  }
0x84: {  	_ =	shalt  }
0x85: {  	_ =	shalt  }
0x86: {  	_ =	shalt  }
0x87: {  	_ =	shalt  }
.Lfunc_end0:
.L_simem_size_0:
called_computation_lowered:
.L_overlay_start_0:
0x88: {  	s2 =	sld [smem:$0x3FD9]  }
0x89: {  	s3 =	sld [smem:$0x3FFE];
	_ =	sdelay $0x1  }
0x8a: {  	s1 =	srdreg.scid  }
0x8b: {  	s0 =	sand.u32 $0x1, s1  }
0x8c: {  	s14 =	sshll.u32 s0, $0xA;
	s2 =	sadd.s32 s3, s2  }
0x8d: {  	s2 =	sadd.s32 s2, s14  }
0x8e: {  	[smem:$0x3FC0] =	sst s2  }
0x8f: {  	_ = 	snop  }
0x90: {  	s2 =	sld [smem:$0x3FD0];
	_ =	sdelay $0x2  }
0x91: {  	s4 =	simm.s32 $0xA;
	s5 =	simm.s32 $0x10;
	s15 =	sld [smem:$0x3FC9]  }
0x92: {  	[smem:s5], [sflag:s4] =	dma.local [hbm:s2], $0x1  }
0x93: {  	_ =	swait.eq [sflag:s4], $0x1  }
0x94: {  	[sflag:s4] =	ssyncset.done $0x0  }
0x95: {  	s16 =	sld [smem:$0x10];
	[sflag:s4] =	ssyncadd.s32 $0xFFFFFFFF  }
0x96: {  	s17 =	sld [smem:$0x11];
	(tm) =	ssettm $0x1  }
0x97: {  	s18 =	sld [smem:$0x3FFB];
	_ =	sdelay $0x3  }
0x98: {  	_ =	strace s18  }
0x99: {  	s5 =	sld [smem:$0x3FFC];
	_ =	sdelay $0x3  }
0x9a: {  	_ =	strace s5  }
0x9b: {  	s5 =	sld [smem:$0x3FFD];
	_ =	sdelay $0x3  }
0x9c: {  	_ =	strace s5  }
0x9d: {  	_ =	strace $0x8FFFFFFF  }
0x9e: {  	s19 =	sld [smem:$0x3FDB];
	_ =	sdelay $0x1  }
0x9f: {  	s6 =	simm.s32 $_scs_section_size  }
0xa0: {  	s7 =	simm.s32 $_size__tile_overlayer_lowered;
	s8 =	simm.s32 $_tile_overlayer_lowered  }
0xa1: {  	s22 =	simm.s32 $0x1BFF;
	s21 =	sshll.u32 s8, $0x1;
	s5 =	sadd.s32 s6, s19  }
0xa2: {  	s9 =	simm.s32 $0x0;
	s20 =	sshll.u32 s7, $0x1;
	s7 =	sadd.s32 s21, s5  }
0xa3: {  	[timem:s9], [sflag:s22] =	dma.local [hbm:s7], s20  }
0xa4: {  	_ =	swait.ge [sflag:s22], s20  }
0xa5: {  	s6 =	ssub.s32 $0x0, s20;
	[sflag:s22] =	ssyncset.done $0x0  }
0xa6: {  	[sflag:s22] =	ssyncadd.s32 s6;
	_ =	sdelay $0x1  }
0xa7: {  	s23 =	simm.s32 $0x1B8B  }
0xa8: {  	_ =	swait.ge [sflag:s23], $0x1  }
0xa9: {  	[sflag:s23] =	ssyncset.done $0x0  }
0xaa: {  	s25 =	simm.s32 $0x1B8E;
	s24 =	sld [smem:$0x3FFE];
	[sflag:s23] =	ssyncadd.s32 $0xFFFFFFFF  }
0xab: {  	s26 =	simm.s32 $execute0_lowered;
	[smem:$0x3FD2] =	sst s25  }
0xac: {  	s7 =	sshll.u32 s26, $0x1;
	_ =	strace $0x80000046;
	[dreg:$0x1] =	wrdreg $0xFFFFFFFF  }
0xad: {  	s28 =	simm.s32 $_size_execute0_lowered;
	s5 =	sadd.s32 s5, s7;
	[dreg:$0x0] =	wrdreg $0x0  }
0xae: {  	s7 =	sshll.u32 s28, $0x1;
	[dreg:$0x2] =	wrdreg s5  }
0xaf: {  	[dreg:$0x3] =	wrdreg s7  }
0xb0: {  	[dreg:$0x4] =	wrdreg $0xC0  }
0xb1: {  	_ =	task [dreg:s9], $0x5FFFF  }
0xb2: {  	[dreg:$0x1] =	wrdreg $0xFFFFFFFF  }
0xb3: {  	[dreg:$0x0] =	wrdreg $0x60  }
0xb4: {  	[dreg:$0x2] =	wrdreg s24  }
0xb5: {  	[dreg:$0x3] =	wrdreg s15  }
0xb6: {  	[dreg:$0x4] =	wrdreg s17  }
0xb7: {  	[dreg:$0x5] =	wrdreg s16  }
0xb8: {  	[dreg:$0x6] =	wrdreg $0xFEC00  }
0xb9: {  	[dreg:$0x7] =	wrdreg $0x9  }
0xba: {  	_ =	task.clear_ibuf [dreg:s9], $0x8FFFF;
	_ =	strace $0x90000046  }
0xbb: {  	s29 =	simm.s32 $0x9;
	_ =	strace $0x80000048  }
0xbc: {  	_ =	swait.ge [sflag:s29], $0x1  }
0xbd: {  	[sflag:s29] =	ssyncadd.s32 $0xFFFFFFFF  }
0xbe: {  	_ =	strace $0x90000048  }
0xbf: {  	_ =	sfence  }
0xc0: {  	s30 =	sld [smem:$0x0];
	_ =	sdelay $0x2  }
0xc1: {  	s31 =	sshll.u32 s1, $0xD;
	s1 =	sshrl.u32 s1, $0x2  }
0xc2: {  	s3 =	sand.u32 $0x4000, s31;
	s1 =	sadd.s32 s1, s30  }
0xc3: {  	s0 =	sor.u32 s3, s0;
	s1 =	sshll.u32 s1, $0x11  }
0xc4: {  	s0 =	sor.u32 s1, s0  }
0xc5: {  	s0 =	sadd.s32 $0x8F2B, s0  }
0xc6: {  	[sflag:s0] =	ssyncadd.remote.s32 $0x1  }
0xc7: {  	_ =	sfence.sel $0xFFFF  }
0xc8: {  	[dreg:$0x0] =	wrdreg $0xFFFFFFFF;
	(pc) =	sbr.abs _section_cstart, $3  }
0xc9: {  	[dreg:$0x1] =	wrdreg $0xFFFFFFFF  }
0xca: {  	_ =	task.clear_ibuf [dreg:s9], $0x2FFFF;
	_ =	strace $0x9FFFFFFF  }
0xcb: {  	(tm) =	ssettm $0x7FFFFFFF  }
tec
execute0_lowered:
.L_overlay_start_1:
0x0: {  	(tag) =	ssettag $0x1  }
0x1: {  	s0 =	rddreg [dreg:$0x0]  }
0x2: {  	s1 =	rddreg [dreg:$0x1]  }
0x3: {  	s2 =	rddreg [dreg:$0x2]  }
0x4: {  	s4 =	rddreg [dreg:$0x3]  }
0x5: {  	s3 =	rddreg [dreg:$0x4]  }
0x6: {  	s5 =	srdreg.scid;
	s22 =	stileid.u32  }
0x7: {  	s18 =	simm.s32 $0x4;
	s20 =	simm.s32 $0x70;
	s8 =	sand.u32 $0x1, s5  }
0x8: {  	s5 =	simm.s32 $0x0;
	s24 =	sadd.s32 $0x7E00, s0;
	s7 =	sshll.u32 s22, $0xB  }
0x9: {  	s26 =	sshll.u32 s22, $0xE;
	s28 =	sshll.u32 s22, $0x6;
	s19 =	sadd.s32 $0x40000, s3  }
0xa: {  	p0 =	sne.s32 s22, $0xF;
	p1 =	seq.s32 s22, $0xF;
	s6 =	sshll.u32 s8, $0x4  }
0xb: {  	[smem:$0x7FF] =	sst s5;
	s9 =	ssub.s32 $0x2, s8;
	s10 =	sadd.s32 s7, s0  }
0xc: {  	s7 =	sadd.s32 s26, s3;
	s12 =	smul.u32 $0x3E800, s8;
	s19 =	sshrl.u32 @!p0 s19, $0x3  }
0xd: {  	s6 =	sor.u32 s22, s6;
	_ =	strace $0x80000047;
	[dreg:$0x6] =	wrdreg s24  }
0xe: {  	s11 =	sshrl.u32 s9, $0x1;
	s29 =	sadd.s32 $0x8000, s10;
	s17 =	sshrl.u32 s7, $0x3  }
0xf: {  	s24 =	simm.s32 $0xF280;
	s21 =	smul.u32 $0xC40, s6;
	s16 =	ssub.s32 s9, s11  }
0x10: {  	[dreg:$0x7] =	wrdreg s29;
	s30 =	sadd.s32 s26, s12;
	s12 =	sshrl.u32 s12, $0x3  }
0x11: {  	s9 =	sor.u32 $0x1C04, s28;
	s26 =	simm.s32 $0x0;
	s14 =	sadd.s32 s4, s12  }
0x12: {  	s16 =	smax.u32 s16, $0x1;
	s25 =	sshrl.u32 s21, $0x3;
	s14 =	sadd.s32 $0x7800, s14  }
0x13: {  	s15 =	sadd.s32 s25, s0;
	s0 =	sadd.s32 $0x10000, s0;
	s25 =	simm.s32 $0xC080  }
0x14: {  	[dreg:$0x8] =	wrdreg s0;
	s31 =	sadd.s32 $0x1A00, s15;
	s0 =	sshrl.u32 s30, $0x3  }
0x15: {  	s12 =	sadd.s32 $0x4C00, s15;
	s13 =	sadd.s32 s4, s0;
	s0 =	sadd.s32 $0x3C000, s3  }
0x16: {  	v0 =	vmov s21;
	s15 =	sadd.s32 $0x10200, s15;
	[dreg:$0x9] =	wrdreg s31;
	s23 =	sshrl.u32 @p1 s0, $0x3  }
.LBB2_1:
0x17: {  	s0 =	rddreg [dreg:$0x7]  }
0x18: {  	[spmem:s17], [sflag:s9] =	dma.local [hbm:s0], $0x800  }
0x19: {  	_ =	swait.ge [sflag:s18], $0x800  }
0x1a: {  	[sflag:s18] =	ssyncset.done $0x0  }
0x1b: {  	s0 =	rddreg [dreg:$0x8];
	[sflag:s18] =	ssyncadd.s32 $0xFFFFF800  }
0x1c: {  	[spmem:s19], [sflag:s9] =	dma.local @!p0 [hbm:s0], $0x80  }
0x1d: {  	s0 =	simm.s32 @!p0 $0x4  }
0x1e: {  	_ =	swait.ge @!p0 [sflag:s0], $0x80  }
0x1f: {  	[sflag:s0] =	ssyncset.done @!p0 $0x0  }
0x20: {  	[sflag:s0] =	ssyncadd.s32 @!p0 $0xFFFFFF80  }
0x21: {  	p2 =	por $0x0, $0x0;
	s0 =	simm.s32 $0x2;
	[bflag:$0x0] =	sbarrier.arrive $0xFFFF  }
0x22: {  	s0 =	smul.u32 @!p2 $0xAB, s0;
	s4 =	rddreg [dreg:$0x9]  }
0x23: {  	[tilespmem:s5], [sflag:$0x4] =	stream.linear.gather [hbm4b:s4+s5], $0xC40, $0x38;
	[tilespmem:$0x13F00] =	vst v63  }
0x24: {  	s6 =	simm.s32 $0x1880;
	s21 =	simm.s32 $0x0;
	_ =	swait.ge [sflag:s18], $0xC40  }
0x25: {  	s21 =	smul.u32 $0xAB, s21;
	s0 =	sshrl.u32 @!p2 s0, $0x9;
	[sflag:s18] =	ssyncset.done $0x0  }
0x26: {  	s4 =	simm.s32 $0xC40;
	s0 =	sand.u32 @!p2 $0x7F, s0;
	[sflag:s18] =	ssyncadd.s32 $0xFFFFF3C0  }
0x27: {  	[tilespmem:s4], [sflag:$0x4] =	stream.linear.gather [hbm4b:s12+s5], $0xC40, $0x38;
	[tilespmem:$0x13F00] =	vst v63  }
0x28: {  	s22 =	simm.s32 $0xE0;
	s0 =	smul.u32 @!p2 $0x3, s0;
	_ =	swait.ge [sflag:s18], $0xC40  }
0x29: {  	s30 =	simm.s32 $0x3;
	s21 =	sshrl.u32 s21, $0x9;
	[sflag:s18] =	ssyncset.done $0x0  }
0x2a: {  	s21 =	sand.u32 $0x7F, s21;
	s0 =	ssub.s32 @!p2 $0x2, s0;
	[sflag:s18] =	ssyncadd.s32 $0xFFFFF3C0  }
0x2b: {  	[tilespmem:s6], [sflag:$0x1] =	stream.indirect.gather [hbm4b:s1+s20], $0x80, s5, s20, $0xb8;
	[tilespmem:$0x13F00] =	vst v63  }
0x2c: {  	s21 =	smul.u32 $0x3, s21;
	s0 =	sand.u32 @!p2 $0xFF, s0;
	s6 =	simm.s32 $0x5080  }
0x2d: {  	[tilespmem:s6], [sflag:$0x2] =	stream.indirect.gather [hbm4b:s1+s20], $0x80, s20, s20, $0xb8;
	[tilespmem:$0x13F00] =	vst v63  }
0x2e: {  	s31 =	simm.s32 $0x4;
	s21 =	ssub.s32 $0x0, s21;
	s6 =	smul.u32 @!p2 $0xE000, s0  }
0x2f: {  	s29 =	simm.s32 $0x150;
	s28 =	simm.s32 $0xCB0;
	s21 =	sand.u32 $0xFF, s21  }
0x30: {  	s8 =	simm.s32 @!p2 $0x70;
	s10 =	sadd.s32 $0x1, s21;
	s6 =	sshrl.u32 @!p2 s6, $0x2  }
0x31: {  	s21 =	smul.u32 $0xE000, s21;
	s0 =	sadd.s32 @!p2 $0x1, s0;
	s6 =	sadd.s32 @!p2 $0x1880, s6  }
0x32: {  	[tilespmem:s6], [sflag:s0] =	stream.indirect.gather @!p2 [hbm4b:s1+s8], $0x80, s22, s8, $0xb8;
	[tilespmem:$0x13F00] =	vst v63  }
0x33: {  	s0 =	simm.s32 $0x1;
	s8 =	sshrl.u32 s21, $0x2;
	_ =	swait.ge [sflag:s10], $0x3800  }
0x34: {  	p2 =	por $0x0, $0x0;
	s11 =	smul.u32 $0xAB, s0;
	[sflag:s10] =	ssyncset.done $0x0  }
0x35: {  	s21 =	smul.u32 @!p2 $0xAB, s30;
	s6 =	sadd.s32 $0x1880, s8;
	[sflag:s10] =	ssyncadd.s32 $0xFFFFC800  }
0x36: {  	[spmem:s3] =	stream.indirect.scatter.add.f32 [tilespmem:s6], [sflag:$0x4], $0x80, s4, s20, $0xb8;
	[tilespmem:$0x13F00] =	vst v63  }
0x37: {  	s22 =	sshrl.u32 s11, $0x9;
	s6 =	sshrl.u32 @!p2 s21, $0x9;
	_ =	swait.ge [sflag:s18], $0x3800  }
0x38: {  	s4 =	sand.u32 $0x7F, s22;
	s21 =	sand.u32 @!p2 $0x7F, s6;
	[sflag:s18] =	ssyncset.done $0x0  }
.LBB2_2:
0x39: {  	s6 =	smul.u32 @!p2 $0x3, s21;
	[sflag:s18] =	ssyncadd.s32 $0xFFFFC800;
	s8 =	smov.u32 s31  }
0x3a: {  	s31 =	sadd.s32 $0x1, s31;
	s10 =	smov.u32 s29;
	s21 =	smov.u32 s28  }
0x3b: {  	p3 =	sne.s32 s31, $0x1E  }
0x3c: {  	s4 =	smul.u32 $0x3, s4;
	s6 =	ssub.s32 @!p2 s30, s6;
	s30 =	smov.u32 s8  }
0x3d: {  	s6 =	sand.u32 @!p2 $0xFF, s6  }
0x3e: {  	s0 =	ssub.s32 s0, s4;
	s8 =	smul.u32 @!p2 $0xE000, s6;
	s6 =	sadd.s32 @!p2 $0x1, s6  }
0x3f: {  	s29 =	sadd.s32 $0x70, s29;
	s28 =	sadd.s32 $0x70, s28;
	s0 =	sand.u32 $0xFF, s0  }
0x40: {  	s22 =	sadd.s32 $0x1, s0;
	s4 =	sshrl.u32 @!p2 s8, $0x2;
	s8 =	simm.s32 @!p2 $0x70  }
0x41: {  	s11 =	smul.u32 $0xE000, s0;
	s0 =	sadd.s32 $0xFFFFFFFE, s30;
	s4 =	sadd.s32 @!p2 $0x1880, s4  }
0x42: {  	[tilespmem:s4], [sflag:s6] =	stream.indirect.gather @!p2 [hbm4b:s1+s8], $0x80, s10, s8, $0xb8;
	[tilespmem:$0x13F00] =	vst v63  }
0x43: {  	s4 =	sshrl.u32 s11, $0x2;
	s6 =	smul.u32 $0xAB, s0;
	_ =	swait.ge [sflag:s22], $0x3800  }
.Ltmp0:
0x44: {  	p2 =	sgt.u32 s0, $0x19;
	[sflag:s22] =	ssyncset.done $0x0;
	(pc) =	sbr.rel @p3 .LBB2_2-.Ltmp0, $4  }
0x45: {  	s8 =	smul.u32 @!p2 $0xAB, s30;
	s4 =	sadd.s32 $0x1880, s4;
	[sflag:s22] =	ssyncadd.s32 $0xFFFFC800  }
0x46: {  	[spmem:s3] =	stream.indirect.scatter.add.f32 [tilespmem:s4], [sflag:$0x4], $0x80, s21, s20, $0xb8;
	[tilespmem:$0x13F00] =	vst v63  }
0x47: {  	s4 =	sshrl.u32 s6, $0x9;
	s6 =	sshrl.u32 @!p2 s8, $0x9;
	_ =	swait.ge [sflag:s18], $0x3800  }
0x48: {  	s4 =	sand.u32 $0x7F, s4;
	s21 =	sand.u32 @!p2 $0x7F, s6;
	[sflag:s18] =	ssyncset.done $0x0  }
0x49: {  	s6 =	smul.u32 @!p2 $0x3, s21;
	_ =	sdelay $0x1  }
0x4a: {  	s4 =	smul.u32 $0x3, s4;
	s6 =	ssub.s32 @!p2 s30, s6  }
0x4b: {  	s6 =	sand.u32 @!p2 $0xFF, s6  }
0x4c: {  	s0 =	ssub.s32 s0, s4;
	s8 =	smul.u32 @!p2 $0xE000, s6  }
0x4d: {  	[sflag:s18] =	ssyncadd.s32 $0xFFFFC800;
	s0 =	sand.u32 $0xFF, s0  }
0x4e: {  	s6 =	sadd.s32 @!p2 $0x1, s6;
	s10 =	sadd.s32 $0x1, s0;
	s4 =	sshrl.u32 @!p2 s8, $0x2  }
0x4f: {  	s0 =	smul.u32 $0xE000, s0;
	s8 =	simm.s32 @!p2 $0x70;
	s4 =	sadd.s32 @!p2 $0x1880, s4  }
0x50: {  	[tilespmem:s4], [sflag:s6] =	stream.indirect.gather @!p2 [hbm4b:s1+s8], $0x80, s29, s8, $0xb8;
	[tilespmem:$0x13F00] =	vst v63  }
0x51: {  	_ =	swait.ge [sflag:s10], $0x3800  }
0x52: {  	s0 =	sshrl.u32 s0, $0x2;
	[sflag:s10] =	ssyncset.done $0x0  }
0x53: {  	s0 =	sadd.s32 $0x1880, s0;
	[sflag:s10] =	ssyncadd.s32 $0xFFFFC800  }
0x54: {  	[spmem:s3] =	stream.indirect.scatter.add.f32 [tilespmem:s0], [sflag:$0x4], $0x80, s28, s20, $0xb8;
	[tilespmem:$0x13F00] =	vst v63  }
0x55: {  	_ =	swait.ge [sflag:s18], $0x3800  }
0x56: {  	[sflag:s18] =	ssyncset.done $0x0  }
0x57: {  	[sflag:s18] =	ssyncadd.s32 $0xFFFFC800  }
0x58: {  	s0 =	simm.s32 @p1 $0x4;
	[bflag:$0x0] =	sbarrier.arrive $0xFFFF  }
0x59: {  	[hbm:s14], [sflag:s9] =	dma.local @p1 [spmem:s23], $0x500  }
0x5a: {  	_ =	swait.ge @p1 [sflag:s0], $0x500  }
0x5b: {  	[sflag:s0] =	ssyncset.done @p1 $0x0  }
0x5c: {  	[sflag:s0] =	ssyncadd.s32 @p1 $0xFFFFFB00;
	s0 =	sshrl.u32 @!p1 s7, $0x3  }
0x5d: {  	[hbm:s13], [sflag:s9] =	dma.local @!p1 [spmem:s0], $0x800  }
0x5e: {  	s0 =	simm.s32 @!p1 $0x4  }
0x5f: {  	_ =	swait.ge @!p1 [sflag:s0], $0x800  }
0x60: {  	[sflag:s0] =	ssyncset.done @!p1 $0x0  }
0x61: {  	s28 =	simm.s32 $0x0;
	s31 =	rddreg [dreg:$0x6];
	[sflag:s0] =	ssyncadd.s32 @!p1 $0xFFFFF800  }
0x62: {  	[tilespmem:s24], [sflag:$0x4] =	stream.linear.gather [hbm4b:s31+s28], $0xC40, $0x38;
	[tilespmem:$0x13F00] =	vst v63  }
0x63: {  	_ =	swait.ge [sflag:s18], $0xC40  }
0x64: {  	[sflag:s18] =	ssyncset.done $0x0  }
0x65: {  	v1 =	vimm.s32 $0x0;
	[sflag:s18] =	ssyncadd.s32 $0xFFFFF3C0  }
.LBB2_4:
0x66: {  	s0 =	smul.u32 $0x640, s28;
	_ =	sdelay $0x1  }
0x67: {  	v4 =	vlaneseq.u32;
	s0 =	sadd.s32 s2, s0  }
0x68: {  	v6 =	vor.u32 $0x10, v4;
	[tilespmem:s25], [sflag:$0x4] =	stream.linear.gather [hbm4b:s0+s5], $0x3200, $0x38;
	[tilespmem:$0x13F00] =	vst v63  }
0x69: {  	_ =	swait.ge [sflag:s18], $0x3200  }
0x6a: {  	v2 =	vor.u32 $0x20, v4;
	[sflag:s18] =	ssyncset.done $0x0  }
0x6b: {  	[sflag:s18] =	ssyncadd.s32 $0xFFFFCE00  }
0x6c: {  	v3 =	vor.u32 $0x30, v4;
	v5 =	vld.idx.msk [tilespmem:v4+s25+$0x0], $0xffff  }
0x6d: {  	v7 =	vld.idx.msk [tilespmem:v6+s25+$0x0], $0xffff;
	_ =	sdelay $0x1  }
0x6e: {  	v8 =	vld.idx.msk [tilespmem:v2+s25+$0x0], $0xffff;
	_ =	sdelay $0x1  }
0x6f: {  	v10 =	vld.idx.msk [tilespmem:v3+s25+$0x0], $0xffff;
	v9 =	vsub.s32 v5, v0;
	v5 =	vand.u32 $0x7, v5  }
0x70: {  	v11 =	vand.u32 $0x7, v7;
	v7 =	vsub.s32 v7, v0;
	vm2 =	vlt.u32 v9, $0xC40  }
0x71: {  	v9 =	vand.u32 $0xFFFFFFF8, v9;
	vm3 =	vlt.u32 v7, $0xC40;
	v7 =	vand.u32 $0xFFFFFFF8, v7  }
0x72: {  	v5 =	vor.u32 v5, v9;
	v9 =	vor.u32 v11, v7;
	v7 =	vsub.s32 v8, v0  }
0x73: {  	v8 =	vand.u32 $0x7, v8;
	v11 =	vand.u32 $0xFFFFFFF8, v7;
	vm0 =	vlt.u32 v7, $0xC40  }
0x74: {  	v12 =	vsub.s32 v10, v0;
	v7 =	vor.u32 v8, v11  }
0x75: {  	v10 =	vand.u32 $0x7, v10;
	vm1 =	vlt.u32 v12, $0xC40;
	v8 =	vand.u32 $0xFFFFFFF8, v12  }
0x76: {  	v8 =	vor.u32 v10, v8  }
0x77: {  	[tilespmem:v5+s24+$0x0] =	vst.idx.msk vm2, v1;
	v5 =	vadd.s32 $0x40, v4  }
0x78: {  	s0 =	simm.s32 $0xC7;
	v6 =	vadd.s32 $0x40, v6;
	v4 =	vmov v1;
	[tilespmem:v9+s24+$0x0] =	vst.idx.msk vm3, v1  }
.LBB2_5:
0x79: {  	p2 =	sne.s32 s0, $0x1;
	s0 =	sadd.s32 $0xFFFFFFFF, s0;
	[tilespmem:v7+s24+$0x0] =	vst.idx.msk vm0, v1;
	v4 =	vadd.s32 $0x1, v4;
	v2 =	vadd.s32 $0x40, v2;
	v3 =	vadd.s32 $0x40, v3;
	_ =	sdelay $0x1  }
0x7a: {  	[tilespmem:v8+s24+$0x0] =	vst.idx.msk vm1, v1;
	v1 =	vmov v4  }
0x7b: {  	v7 =	vld.idx.msk [tilespmem:v5+s25+$0x0], $0xffff  }
0x7c: {  	v8 =	vld.idx.msk [tilespmem:v6+s25+$0x0], $0xffff  }
0x7d: {  	v9 =	vld.idx.msk [tilespmem:v2+s25+$0x0], $0xffff;
	_ =	sdelay $0x1  }
0x7e: {  	v10 =	vld.idx.msk [tilespmem:v3+s25+$0x0], $0xffff;
	_ =	sdelay $0x1  }
0x7f: {  	v11 =	vsub.s32 v7, v0;
	v7 =	vand.u32 $0x7, v7  }
0x80: {  	vm2 =	vlt.u32 v11, $0xC40;
	v11 =	vand.u32 $0xFFFFFFF8, v11;
	v12 =	vand.u32 $0x7, v8  }
0x81: {  	v8 =	vsub.s32 v8, v0;
	v13 =	vsub.s32 v9, v0;
	v11 =	vor.u32 v7, v11  }
0x82: {  	vm3 =	vlt.u32 v8, $0xC40;
	v7 =	vand.u32 $0xFFFFFFF8, v8;
	vm0 =	vlt.u32 v13, $0xC40  }
0x83: {  	v8 =	vand.u32 $0x7, v9;
	v12 =	vor.u32 v12, v7;
	v7 =	vand.u32 $0xFFFFFFF8, v13  }
.Ltmp1:
0x84: {  	v9 =	vsub.s32 v10, v0;
	v7 =	vor.u32 v8, v7;
	(pc) =	sbr.rel @p2 .LBB2_5-.Ltmp1, $4  }
0x85: {  	vm1 =	vlt.u32 v9, $0xC40;
	v8 =	vand.u32 $0xFFFFFFF8, v9;
	v9 =	vand.u32 $0x7, v10  }
0x86: {  	v8 =	vor.u32 v9, v8;
	[tilespmem:v11+s24+$0x0] =	vst.idx.msk vm2, v4  }
0x87: {  	v5 =	vadd.s32 $0x40, v5  }
0x88: {  	v6 =	vadd.s32 $0x40, v6;
	[tilespmem:v12+s24+$0x0] =	vst.idx.msk vm3, v4  }
0x89: {  	s28 =	sadd.s32 $0x1, s28  }
0x8a: {  	p2 =	sne.s32 s28, $0xA  }
.Ltmp2:
0x8b: {  	_ = 	snop;
	(pc) =	sbr.rel @p2 .LBB2_4-.Ltmp2, $3  }
0x8c: {  	_ =	sdelay $0x1  }
0x8d: {  	[tilespmem:v7+s24+$0x0] =	vst.idx.msk vm0, v1;
	v2 =	vadd.s32 $0x1, v4  }
0x8e: {  	[tilespmem:v8+s24+$0x0] =	vst.idx.msk vm1, v1;
	v1 =	vmov v2  }
0x8f: {  	s26 =	sadd.s32 $0x1, s26  }
0x90: {  	p2 =	sne.s32 s26, s16  }
.Ltmp3:
0x91: {  	_ = 	snop;
	(pc) =	sbr.rel @p2 .LBB2_1-.Ltmp3, $4  }
0x92: {  	[hbm4b:s15+s5] =	stream.linear.scatter [tilespmem:s24], [sflag:$0x4], $0xC40, $0x38;
	[tilespmem:$0x13F00] =	vst v63  }
0x93: {  	_ =	swait.ge [sflag:s18], $0xC40  }
0x94: {  	[sflag:s18] =	ssyncset.done $0x0  }
0x95: {  	[sflag:s18] =	ssyncadd.s32 $0xFFFFF3C0  }
0x96: {  	_ =	sfence.sel $0x180000  }
0x97: {  	[bflag:$0x0] =	sbarrier.arrive $0xFFFF  }
0x98: {  	_ =	strace $0x90000047  }
0x99: {  	s0 =	stileid.u32;
	[bflag:$0x2] =	sbarrier.arrive $0xFFFF  }
0x9a: {  	p0 =	sne.s32 s0, $0x0;
	s0 =	rddreg [dreg:$0x5]  }
0x9b: {  	s0 =	sadd.s32 @!p0 $0x100000, s0  }
0x9c: {  	[sflag:s0] =	ssyncadd.tile.s32 @!p0 $0x1;
	_ =	shalt  }
.Lfunc_end2:
_tile_overlayer_lowered:
.L_overlay_start_2:
0x9d: {  	(tag) =	ssettag $0x2  }
0x9e: {  	s0 =	rddreg [dreg:$0x0];
	s2 =	stileid.u32  }
0x9f: {  	s1 =	rddreg [dreg:$0x1];
	p0 =	sne.s32 s2, $0x0  }
0xa0: {  	s3 =	rddreg [dreg:$0x2];
	[bflag:$0x3] =	sbarrier.arrive $0xFFFF;
	s2 =	simm.s32 @!p0 $0x1C04  }
0xa1: {  	[timem:s3], [sflag:s2] =	dma.local @!p0 [hbm:s0], s1  }
0xa2: {  	s0 =	simm.s32 @!p0 $0x4  }
0xa3: {  	_ =	swait.ge @!p0 [sflag:s0], s1  }
0xa4: {  	s1 =	ssub.s32 @!p0 $0x0, s1;
	[sflag:s0] =	ssyncset.done @!p0 $0x0  }
0xa5: {  	[sflag:s0] =	ssyncadd.s32 @!p0 s1  }
0xa6: {  	[bflag:$0x3] =	sbarrier.arrive $0xFFFF  }
0xa7: {  	_ =	shalt  }

</sc_bundles>
